<compile_context>
chip_gen: v7x
topology: tpu7x:2x2x1
jax: 0.10.2.dev20260603
libtpu: 0.0.44.dev20260713+nightly
codegen_flags: <defaults>
</compile_context>

<pallas_src>
import functools

import jax
import jax.numpy as jnp
from jax import lax
from jax.experimental import pallas as pl
from jax.experimental.pallas import tpu as pltpu
from jax.experimental.pallas import tpu_sc as plsc

N, E, D, H, O = 10000, 160000, 256, 256, 128
HALF = 128
NC, NS = 2, 16
EPT = E // NS
CH = 125
NCHUNK = 80
NPAD = 10240
RPT = NPAD // NS

_sc_mesh = plsc.VectorSubcoreMesh(core_axis_name="c", subcore_axis_name="s")


@functools.partial(
    pl.kernel,
    out_type=jax.ShapeDtypeStruct((NC, NPAD, HALF), jnp.float32),
    mesh=_sc_mesh,
    scratch_types=[
        pltpu.VMEM((NCHUNK, CH), jnp.int32),
        pltpu.VMEM((NCHUNK, CH), jnp.int32),
        pltpu.VMEM((CH, HALF), jnp.float32),
        pltpu.VMEM_SHARED((NPAD, HALF), jnp.float32),
        pltpu.SemaphoreType.DMA,
    ],
)
def _seg_sum(xh, srcr, dstr, zeros, out, idx_s, idx_d, rows, acc, sem):
    c = lax.axis_index("c")
    s = lax.axis_index("s")
    pltpu.sync_copy(zeros, acc.at[pl.ds(s * RPT, RPT)])
    pltpu.sync_copy(srcr.at[c].at[s], idx_s)
    pltpu.sync_copy(dstr.at[s], idx_d)
    plsc.subcore_barrier()

    def chunk(j, carry):
        pltpu.async_copy(xh.at[idx_s.at[j]], rows, sem).wait()
        pltpu.sync_copy(rows, acc.at[idx_d.at[j]], add=True)
        return carry

    lax.fori_loop(0, NCHUNK, chunk, 0)
    plsc.subcore_barrier()
    pltpu.sync_copy(acc.at[pl.ds(s * RPT, RPT)], out.at[c].at[pl.ds(s * RPT, RPT)])


def _lrelu(x):
    return jnp.where(x >= 0, x, 0.2 * x)


def _dense0_body(agg_ref, x_ref, wn_ref, ws_ref, b_ref, h_ref, csx_ref, csh_ref):
    i = pl.program_id(0)
    agg = jnp.concatenate([agg_ref[0], agg_ref[1]], axis=1)
    x = x_ref[...]
    h = jnp.dot(agg, wn_ref[...], preferred_element_type=jnp.float32)
    h += jnp.dot(x, ws_ref[...], preferred_element_type=jnp.float32)
    h += b_ref[...]
    h = _lrelu(_lrelu(h))
    h_ref[0] = h[:, :HALF]
    h_ref[1] = h[:, HALF:]

    @pl.when(i == 0)
    def _():
        csx_ref[...] = jnp.zeros_like(csx_ref)
        csh_ref[...] = jnp.zeros_like(csh_ref)

    csx_ref[...] += jnp.sum(x, axis=0, keepdims=True)
    csh_ref[...] += jnp.sum(h, axis=0, keepdims=True)


def _dense1_body(agg_ref, x_ref, wn_ref, ws_ref, b_ref, cs0_ref, cs1_ref,
                 r0_ref, r1_ref, r2_ref, rb0_ref, rb1_ref, rb2_ref, out_ref):
    i = pl.program_id(0)
    agg = jnp.concatenate([agg_ref[0], agg_ref[1]], axis=1)
    x = jnp.concatenate([x_ref[0], x_ref[1]], axis=1)
    h = jnp.dot(agg, wn_ref[...], preferred_element_type=jnp.float32)
    h += jnp.dot(x, ws_ref[...], preferred_element_type=jnp.float32)
    h += b_ref[...]
    h = _lrelu(_lrelu(h))
    csh = jnp.sum(h, axis=0, keepdims=True)

    @pl.when(i == 0)
    def _():
        out_ref[...] = (
            jnp.dot(cs0_ref[...], r0_ref[...], preferred_element_type=jnp.float32)
            + jnp.dot(cs1_ref[...], r1_ref[...], preferred_element_type=jnp.float32)
            + float(N) * (rb0_ref[...] + rb1_ref[...] + rb2_ref[...])
        )

    out_ref[...] += jnp.dot(csh, r2_ref[...], preferred_element_type=jnp.float32)


GBN = 1000

_dense0 = pl.pallas_call(
    _dense0_body,
    grid=(N // GBN,),
    in_specs=[
        pl.BlockSpec((NC, GBN, HALF), lambda i: (0, i, 0)),
        pl.BlockSpec((GBN, D), lambda i: (i, 0)),
        pl.BlockSpec((D, H), lambda i: (0, 0)),
        pl.BlockSpec((D, H), lambda i: (0, 0)),
        pl.BlockSpec((1, H), lambda i: (0, 0)),
    ],
    out_specs=[
        pl.BlockSpec((NC, GBN, HALF), lambda i: (0, i, 0)),
        pl.BlockSpec((1, D), lambda i: (0, 0)),
        pl.BlockSpec((1, H), lambda i: (0, 0)),
    ],
    out_shape=[
        jax.ShapeDtypeStruct((NC, NPAD, HALF), jnp.float32),
        jax.ShapeDtypeStruct((1, D), jnp.float32),
        jax.ShapeDtypeStruct((1, H), jnp.float32),
    ],
)

_dense1 = pl.pallas_call(
    _dense1_body,
    grid=(N // GBN,),
    in_specs=[
        pl.BlockSpec((NC, GBN, HALF), lambda i: (0, i, 0)),
        pl.BlockSpec((NC, GBN, HALF), lambda i: (0, i, 0)),
        pl.BlockSpec((H, H), lambda i: (0, 0)),
        pl.BlockSpec((H, H), lambda i: (0, 0)),
        pl.BlockSpec((1, H), lambda i: (0, 0)),
        pl.BlockSpec((1, D), lambda i: (0, 0)),
        pl.BlockSpec((1, H), lambda i: (0, 0)),
        pl.BlockSpec((D, O), lambda i: (0, 0)),
        pl.BlockSpec((H, O), lambda i: (0, 0)),
        pl.BlockSpec((H, O), lambda i: (0, 0)),
        pl.BlockSpec((1, O), lambda i: (0, 0)),
        pl.BlockSpec((1, O), lambda i: (0, 0)),
        pl.BlockSpec((1, O), lambda i: (0, 0)),
    ],
    out_specs=pl.BlockSpec((1, O), lambda i: (0, 0)),
    out_shape=jax.ShapeDtypeStruct((1, O), jnp.float32),
)


def kernel(nfeats, efeats, edge_index, Wself0, Wneigh0, b0, Wself1, Wneigh1,
           b1, R0, Rb0, R1, Rb1, R2, Rb2):
    src = edge_index[0]
    dst = edge_index[1]
    src_adj = jnp.stack([src, src + NPAD]).reshape(NC, NS, NCHUNK, CH)
    dstr = dst.reshape(NS, NCHUNK, CH)
    zeros = jnp.zeros((RPT, HALF), jnp.float32)

    x0h = jnp.concatenate(
        [nfeats[:, :HALF], jnp.zeros((NPAD - N, HALF), jnp.float32),
         nfeats[:, HALF:]], axis=0)
    x0h = jnp.concatenate([x0h, jnp.zeros((NPAD - N, HALF), jnp.float32)], axis=0)
    agg0 = _seg_sum(x0h, src_adj, dstr, zeros)
    h1, cs0, cs1 = _dense0(agg0, nfeats, Wneigh0, Wself0, b0.reshape(1, H))
    agg1 = _seg_sum(h1.reshape(NC * NPAD, HALF), src_adj, dstr, zeros)
    out = _dense1(agg1, h1, Wneigh1, Wself1, b1.reshape(1, H), cs0, cs1,
                  R0, R1, R2, Rb0.reshape(1, O), Rb1.reshape(1, O),
                  Rb2.reshape(1, O))
    return out

# --- scband reference (transcript-rebuilt; emitter-appended) ---
"""Pipeline reference for scband-sirmodel-72224170049574 (READ-ONLY COPY).

The authoritative reference and input builder live on the scoring server;
editing this copy changes nothing except your own understanding.
"""

import jax, jax.numpy as jnp
import numpy as np

N, E, D, H, O, DE = 10000, 160000, 256, 256, 128, 16

def setup_inputs(seed: int = 0):
    key = jax.random.key(seed)
    ks = jax.random.split(key, 12)
    s = 1.0 / np.sqrt(D)
    sh = 1.0 / np.sqrt(H)
    inp = {}
    inp['nfeats'] = jax.random.normal(ks[0], (N, D), jnp.float32)
    inp['efeats'] = jax.random.normal(ks[1], (E, DE), jnp.float32)
    inp['edge_index'] = jax.random.randint(ks[2], (2, E), 0, N, dtype=jnp.int32)
    inp['Wself0'] = jax.random.normal(ks[3], (D, H), jnp.float32) * s
    inp['Wneigh0'] = jax.random.normal(ks[4], (D, H), jnp.float32) * s
    inp['b0'] = jnp.zeros((H,), jnp.float32)
    inp['Wself1'] = jax.random.normal(ks[5], (H, H), jnp.float32) * sh
    inp['Wneigh1'] = jax.random.normal(ks[6], (H, H), jnp.float32) * sh
    inp['b1'] = jnp.zeros((H,), jnp.float32)
    inp['R0'] = jax.random.normal(ks[7], (D, O), jnp.float32) * s
    inp['Rb0'] = jnp.zeros((O,), jnp.float32)
    inp['R1'] = jax.random.normal(ks[8], (H, O), jnp.float32) * sh
    inp['Rb1'] = jnp.zeros((O,), jnp.float32)
    inp['R2'] = jax.random.normal(ks[9], (H, O), jnp.float32) * sh
    inp['Rb2'] = jnp.zeros((O,), jnp.float32)
    return inp

def _lrelu(x):
    return jax.nn.leaky_relu(x, 0.2)

def _forward(nfeats, edge_index, Wself0, Wneigh0, b0, Wself1, Wneigh1, b1, R0, Rb0, R1, Rb1, R2, Rb2):
    src = edge_index[0]
    dst = edge_index[1]
    x = nfeats
    feats = [x]
    for (Ws, Wn, b) in ((Wself0, Wneigh0, b0), (Wself1, Wneigh1, b1)):
        msg = jnp.take(x, src, axis=0)                      # gather over edges
        agg = jax.ops.segment_sum(msg, dst, num_segments=N) # scatter-add (agg_type='sum')
        h = _lrelu(agg @ Wn + x @ Ws + b)                   # SIRConv internal activation
        h = _lrelu(h)                                       # model-level activation (norm='none', dropout=0)
        x = h
        feats.append(x)
    # jumping_knowledge: per-layer readouts (1-layer MLP = linear), summed
    score = (feats[0] @ R0 + Rb0) + (feats[1] @ R1 + Rb1) + (feats[2] @ R2 + Rb2)
    # SumPooling over all nodes of the single graph -> [1, output_dim]
    return jnp.sum(score, axis=0, keepdims=True)

def reference(nfeats, efeats, edge_index, Wself0, Wneigh0, b0, Wself1, Wneigh1, b1, R0, Rb0, R1, Rb1, R2, Rb2):
    # efeats only flow through DropEdge (p=0) in the original model; SIRConv is called
    # with (graph, nfeats) only, so edge features do not enter the math.
    return _forward(nfeats, edge_index, Wself0, Wneigh0, b0, Wself1, Wneigh1, b1, R0, Rb0, R1, Rb1, R2, Rb2)

if __name__ == "__main__":
    import jax
    _d = setup_inputs()
    print(jax.jit(kernel)(*tuple(_d.values())))

</pallas_src>

<mosaic_0001>
#map = affine_map<(d0, d1) -> (0, 0)>
#map1 = affine_map<(d0, d1) -> (0, 0, 0, 0)>
#map2 = affine_map<(d0, d1) -> (0, 0, 0)>
module attributes {stable_mosaic.version = 14 : i64} {
  func.func @_seg_sum(%arg0: i32, %arg1: i32, %arg2: memref<20480x128xf32, #tpu.memory_space<hbm>>, %arg3: memref<2x16x80x125xi32, #tpu.memory_space<hbm>>, %arg4: memref<16x80x125xi32, #tpu.memory_space<hbm>>, %arg5: memref<640x128xf32, #tpu.memory_space<hbm>>, %arg6: memref<2x10240x128xf32, #tpu.memory_space<hbm>>, %arg7: memref<80x125xi32, #tpu.memory_space<vmem>>, %arg8: memref<80x125xi32, #tpu.memory_space<vmem>>, %arg9: memref<125x128xf32, #tpu.memory_space<vmem>>, %arg10: memref<10240x128xf32, #tpu.memory_space<vmem_shared>>, %arg11: memref<!tpu.dma_semaphore, #tpu.memory_space<semaphore_mem>>) attributes {dimension_semantics = [#tpu.dimension_semantics<core_parallel>, #tpu.dimension_semantics<subcore_parallel>], iteration_bounds = array<i64: 2, 16>, scalar_prefetch = 0 : i64, scratch_operands = 5 : i64, tpu.core_type = #tpu.core_type<sc_vector_subcore>, window_params = [{transform_indices = #map}, {transform_indices = #map1}, {transform_indices = #map2}, {transform_indices = #map}, {transform_indices = #map2}]} {
    %mul3A = arith.constant 640 : i32
    %mul3A_0 = arith.muli %arg1, %mul3A : i32
    "tpu.region"() ({
      %run_scoped3A = tpu.sem_alloc : memref<!tpu.dma_semaphore, #tpu.memory_space<semaphore_mem>>
      %dma_start3A = arith.constant 0 : i32
      %dma_start3A_11 = tpu.memref_slice %arg10[%mul3A_0, %dma_start3A] : memref<10240x128xf32, #tpu.memory_space<vmem_shared>> -> memref<640x128xf32, #tpu.memory_space<vmem_shared>>
      tpu.enqueue_dma source(%arg5 : memref<640x128xf32, #tpu.memory_space<hbm>>) target(%dma_start3A_11 : memref<640x128xf32, #tpu.memory_space<vmem_shared>>) target_semaphore(%run_scoped3A : memref<!tpu.dma_semaphore, #tpu.memory_space<semaphore_mem>>)
      %dma_wait3A = arith.constant 0 : i32
      %dma_wait3A_12 = tpu.memref_slice %arg10[%mul3A_0, %dma_wait3A] : memref<10240x128xf32, #tpu.memory_space<vmem_shared>> -> memref<640x128xf32, #tpu.memory_space<vmem_shared>>
      tpu.wait_dma2 semaphore(%run_scoped3A : memref<!tpu.dma_semaphore, #tpu.memory_space<semaphore_mem>>) src(%arg5 : memref<640x128xf32, #tpu.memory_space<hbm>>) dst(%dma_wait3A_12 : memref<640x128xf32, #tpu.memory_space<vmem_shared>>)
      tpu.yield
    }) : () -> ()
    "tpu.region"() ({
      %run_scoped3A = tpu.sem_alloc : memref<!tpu.dma_semaphore, #tpu.memory_space<semaphore_mem>>
      %dma_start3A = arith.constant 0 : i32
      %dma_start3A_11 = arith.constant 0 : i32
      %dma_start3A_12 = arith.constant 0 : i32
      %dma_start3A_13 = tpu.memref_slice %arg3[%arg0, %dma_start3A, %dma_start3A_11, %dma_start3A_12] : memref<2x16x80x125xi32, #tpu.memory_space<hbm>> -> memref<1x16x80x125xi32, #tpu.memory_space<hbm>>
      %dma_start3A_14 = tpu.memref_squeeze %dma_start3A_13 : memref<1x16x80x125xi32, #tpu.memory_space<hbm>> -> memref<16x80x125xi32, #tpu.memory_space<hbm>>
      %dma_start3A_15 = arith.constant 0 : i32
      %dma_start3A_16 = arith.constant 0 : i32
      %dma_start3A_17 = tpu.memref_slice %dma_start3A_14[%arg1, %dma_start3A_15, %dma_start3A_16] : memref<16x80x125xi32, #tpu.memory_space<hbm>> -> memref<1x80x125xi32, #tpu.memory_space<hbm>>
      %dma_start3A_18 = tpu.memref_squeeze %dma_start3A_17 : memref<1x80x125xi32, #tpu.memory_space<hbm>> -> memref<80x125xi32, #tpu.memory_space<hbm>>
      %dma_start3A_19 = arith.constant 0 : i32
      %dma_start3A_20 = arith.constant 0 : i32
      %dma_start3A_21 = arith.constant 0 : i32
      %dma_start3A_22 = tpu.memref_slice %arg3[%arg0, %dma_start3A_19, %dma_start3A_20, %dma_start3A_21] : memref<2x16x80x125xi32, #tpu.memory_space<hbm>> -> memref<1x16x80x125xi32, #tpu.memory_space<hbm>>
      %dma_start3A_23 = tpu.memref_squeeze %dma_start3A_22 : memref<1x16x80x125xi32, #tpu.memory_space<hbm>> -> memref<16x80x125xi32, #tpu.memory_space<hbm>>
      %dma_start3A_24 = arith.constant 0 : i32
      %dma_start3A_25 = arith.constant 0 : i32
      %dma_start3A_26 = tpu.memref_slice %dma_start3A_23[%arg1, %dma_start3A_24, %dma_start3A_25] : memref<16x80x125xi32, #tpu.memory_space<hbm>> -> memref<1x80x125xi32, #tpu.memory_space<hbm>>
      %dma_start3A_27 = tpu.memref_squeeze %dma_start3A_26 : memref<1x80x125xi32, #tpu.memory_space<hbm>> -> memref<80x125xi32, #tpu.memory_space<hbm>>
      tpu.enqueue_dma source(%dma_start3A_27 : memref<80x125xi32, #tpu.memory_space<hbm>>) target(%arg7 : memref<80x125xi32, #tpu.memory_space<vmem>>) target_semaphore(%run_scoped3A : memref<!tpu.dma_semaphore, #tpu.memory_space<semaphore_mem>>)
      %dma_wait3A = arith.constant 0 : i32
      %dma_wait3A_28 = arith.constant 0 : i32
      %dma_wait3A_29 = arith.constant 0 : i32
      %dma_wait3A_30 = tpu.memref_slice %arg3[%arg0, %dma_wait3A, %dma_wait3A_28, %dma_wait3A_29] : memref<2x16x80x125xi32, #tpu.memory_space<hbm>> -> memref<1x16x80x125xi32, #tpu.memory_space<hbm>>
      %dma_wait3A_31 = tpu.memref_squeeze %dma_wait3A_30 : memref<1x16x80x125xi32, #tpu.memory_space<hbm>> -> memref<16x80x125xi32, #tpu.memory_space<hbm>>
      %dma_wait3A_32 = arith.constant 0 : i32
      %dma_wait3A_33 = arith.constant 0 : i32
      %dma_wait3A_34 = tpu.memref_slice %dma_wait3A_31[%arg1, %dma_wait3A_32, %dma_wait3A_33] : memref<16x80x125xi32, #tpu.memory_space<hbm>> -> memref<1x80x125xi32, #tpu.memory_space<hbm>>
      %dma_wait3A_35 = tpu.memref_squeeze %dma_wait3A_34 : memref<1x80x125xi32, #tpu.memory_space<hbm>> -> memref<80x125xi32, #tpu.memory_space<hbm>>
      %dma_wait3A_36 = arith.constant 0 : i32
      %dma_wait3A_37 = arith.constant 0 : i32
      %dma_wait3A_38 = arith.constant 0 : i32
      %dma_wait3A_39 = tpu.memref_slice %arg3[%arg0, %dma_wait3A_36, %dma_wait3A_37, %dma_wait3A_38] : memref<2x16x80x125xi32, #tpu.memory_space<hbm>> -> memref<1x16x80x125xi32, #tpu.memory_space<hbm>>
      %dma_wait3A_40 = tpu.memref_squeeze %dma_wait3A_39 : memref<1x16x80x125xi32, #tpu.memory_space<hbm>> -> memref<16x80x125xi32, #tpu.memory_space<hbm>>
      %dma_wait3A_41 = arith.constant 0 : i32
      %dma_wait3A_42 = arith.constant 0 : i32
      %dma_wait3A_43 = tpu.memref_slice %dma_wait3A_40[%arg1, %dma_wait3A_41, %dma_wait3A_42] : memref<16x80x125xi32, #tpu.memory_space<hbm>> -> memref<1x80x125xi32, #tpu.memory_space<hbm>>
      %dma_wait3A_44 = tpu.memref_squeeze %dma_wait3A_43 : memref<1x80x125xi32, #tpu.memory_space<hbm>> -> memref<80x125xi32, #tpu.memory_space<hbm>>
      tpu.wait_dma2 semaphore(%run_scoped3A : memref<!tpu.dma_semaphore, #tpu.memory_space<semaphore_mem>>) src(%dma_wait3A_44 : memref<80x125xi32, #tpu.memory_space<hbm>>) dst(%arg7 : memref<80x125xi32, #tpu.memory_space<vmem>>)
      tpu.yield
    }) : () -> ()
    "tpu.region"() ({
      %run_scoped3A = tpu.sem_alloc : memref<!tpu.dma_semaphore, #tpu.memory_space<semaphore_mem>>
      %dma_start3A = arith.constant 0 : i32
      %dma_start3A_11 = arith.constant 0 : i32
      %dma_start3A_12 = tpu.memref_slice %arg4[%arg1, %dma_start3A, %dma_start3A_11] : memref<16x80x125xi32, #tpu.memory_space<hbm>> -> memref<1x80x125xi32, #tpu.memory_space<hbm>>
      %dma_start3A_13 = tpu.memref_squeeze %dma_start3A_12 : memref<1x80x125xi32, #tpu.memory_space<hbm>> -> memref<80x125xi32, #tpu.memory_space<hbm>>
      %dma_start3A_14 = arith.constant 0 : i32
      %dma_start3A_15 = arith.constant 0 : i32
      %dma_start3A_16 = tpu.memref_slice %arg4[%arg1, %dma_start3A_14, %dma_start3A_15] : memref<16x80x125xi32, #tpu.memory_space<hbm>> -> memref<1x80x125xi32, #tpu.memory_space<hbm>>
      %dma_start3A_17 = tpu.memref_squeeze %dma_start3A_16 : memref<1x80x125xi32, #tpu.memory_space<hbm>> -> memref<80x125xi32, #tpu.memory_space<hbm>>
      tpu.enqueue_dma source(%dma_start3A_17 : memref<80x125xi32, #tpu.memory_space<hbm>>) target(%arg8 : memref<80x125xi32, #tpu.memory_space<vmem>>) target_semaphore(%run_scoped3A : memref<!tpu.dma_semaphore, #tpu.memory_space<semaphore_mem>>)
      %dma_wait3A = arith.constant 0 : i32
      %dma_wait3A_18 = arith.constant 0 : i32
      %dma_wait3A_19 = tpu.memref_slice %arg4[%arg1, %dma_wait3A, %dma_wait3A_18] : memref<16x80x125xi32, #tpu.memory_space<hbm>> -> memref<1x80x125xi32, #tpu.memory_space<hbm>>
      %dma_wait3A_20 = tpu.memref_squeeze %dma_wait3A_19 : memref<1x80x125xi32, #tpu.memory_space<hbm>> -> memref<80x125xi32, #tpu.memory_space<hbm>>
      %dma_wait3A_21 = arith.constant 0 : i32
      %dma_wait3A_22 = arith.constant 0 : i32
      %dma_wait3A_23 = tpu.memref_slice %arg4[%arg1, %dma_wait3A_21, %dma_wait3A_22] : memref<16x80x125xi32, #tpu.memory_space<hbm>> -> memref<1x80x125xi32, #tpu.memory_space<hbm>>
      %dma_wait3A_24 = tpu.memref_squeeze %dma_wait3A_23 : memref<1x80x125xi32, #tpu.memory_space<hbm>> -> memref<80x125xi32, #tpu.memory_space<hbm>>
      tpu.wait_dma2 semaphore(%run_scoped3A : memref<!tpu.dma_semaphore, #tpu.memory_space<semaphore_mem>>) src(%dma_wait3A_24 : memref<80x125xi32, #tpu.memory_space<hbm>>) dst(%arg8 : memref<80x125xi32, #tpu.memory_space<vmem>>)
      tpu.yield
    }) : () -> ()
    %barrier3A = arith.constant 0 : index
    tpu.barrier barrier_id(%barrier3A)
    %scan3A = arith.constant 0 : i32
    %scan3A_1 = arith.constant 0 : i32
    %scan3A_2 = arith.constant 80 : i32
    %scan3A_3 = arith.addi %scan3A_1, %scan3A_2 : i32
    %scan3A_4 = arith.constant 1 : i32
    scf.for %scan3A_11 = %scan3A_1 to %scan3A_3 step %scan3A_4  : i32 {
      %dma_start3A = arith.constant 0 : i32
      %dma_start3A_12 = tpu.memref_slice %arg7[%scan3A_11, %dma_start3A] : memref<80x125xi32, #tpu.memory_space<vmem>> -> memref<1x125xi32, #tpu.memory_space<vmem>>
      %dma_start3A_13 = tpu.memref_squeeze %dma_start3A_12 : memref<1x125xi32, #tpu.memory_space<vmem>> -> memref<125xi32, #tpu.memory_space<vmem>>
      %dma_start3A_14 = arith.constant 0 : i32
      %dma_start3A_15 = arith.constant 0 : i32
      %dma_start3A_16 = tpu.memref_slice %arg2[%dma_start3A_14, %dma_start3A_15] : memref<20480x128xf32, #tpu.memory_space<hbm>> -> memref<20480x128xf32, #tpu.memory_space<hbm>>
      tpu.enqueue_indirect_dma source(%dma_start3A_16 : memref<20480x128xf32, #tpu.memory_space<hbm>>) target(%arg9 : memref<125x128xf32, #tpu.memory_space<vmem>>) offsets(%dma_start3A_13 : memref<125xi32, #tpu.memory_space<vmem>>) semaphore(%arg11 : memref<!tpu.dma_semaphore, #tpu.memory_space<semaphore_mem>>)
      %dma_wait3A = arith.constant 0 : i32
      %dma_wait3A_17 = tpu.memref_slice %arg7[%scan3A_11, %dma_wait3A] : memref<80x125xi32, #tpu.memory_space<vmem>> -> memref<1x125xi32, #tpu.memory_space<vmem>>
      %dma_wait3A_18 = tpu.memref_squeeze %dma_wait3A_17 : memref<1x125xi32, #tpu.memory_space<vmem>> -> memref<125xi32, #tpu.memory_space<vmem>>
      %dma_wait3A_19 = arith.constant 0 : i32
      %dma_wait3A_20 = arith.constant 0 : i32
      %dma_wait3A_21 = tpu.memref_slice %arg2[%dma_wait3A_19, %dma_wait3A_20] : memref<20480x128xf32, #tpu.memory_space<hbm>> -> memref<20480x128xf32, #tpu.memory_space<hbm>>
      tpu.wait_indirect_dma semaphore(%arg11 : memref<!tpu.dma_semaphore, #tpu.memory_space<semaphore_mem>>) src(%dma_wait3A_21 : memref<20480x128xf32, #tpu.memory_space<hbm>>) dst(%arg9 : memref<125x128xf32, #tpu.memory_space<vmem>>)
      "tpu.region"() ({
        %run_scoped3A = tpu.sem_alloc : memref<!tpu.dma_semaphore, #tpu.memory_space<semaphore_mem>>
        %dma_start3A_22 = arith.constant 0 : i32
        %dma_start3A_23 = tpu.memref_slice %arg8[%scan3A_11, %dma_start3A_22] : memref<80x125xi32, #tpu.memory_space<vmem>> -> memref<1x125xi32, #tpu.memory_space<vmem>>
        %dma_start3A_24 = tpu.memref_squeeze %dma_start3A_23 : memref<1x125xi32, #tpu.memory_space<vmem>> -> memref<125xi32, #tpu.memory_space<vmem>>
        %dma_start3A_25 = arith.constant 0 : i32
        %dma_start3A_26 = arith.constant 0 : i32
        %dma_start3A_27 = tpu.memref_slice %arg10[%dma_start3A_25, %dma_start3A_26] : memref<10240x128xf32, #tpu.memory_space<vmem_shared>> -> memref<10240x128xf32, #tpu.memory_space<vmem_shared>>
        tpu.enqueue_indirect_dma source(%arg9 : memref<125x128xf32, #tpu.memory_space<vmem>>) target(%dma_start3A_27 : memref<10240x128xf32, #tpu.memory_space<vmem_shared>>) offsets(%dma_start3A_24 : memref<125xi32, #tpu.memory_space<vmem>>) semaphore(%run_scoped3A : memref<!tpu.dma_semaphore, #tpu.memory_space<semaphore_mem>>) {add = true}
        %dma_wait3A_28 = arith.constant 0 : i32
        %dma_wait3A_29 = tpu.memref_slice %arg8[%scan3A_11, %dma_wait3A_28] : memref<80x125xi32, #tpu.memory_space<vmem>> -> memref<1x125xi32, #tpu.memory_space<vmem>>
        %dma_wait3A_30 = tpu.memref_squeeze %dma_wait3A_29 : memref<1x125xi32, #tpu.memory_space<vmem>> -> memref<125xi32, #tpu.memory_space<vmem>>
        %dma_wait3A_31 = arith.constant 0 : i32
        %dma_wait3A_32 = arith.constant 0 : i32
        %dma_wait3A_33 = tpu.memref_slice %arg10[%dma_wait3A_31, %dma_wait3A_32] : memref<10240x128xf32, #tpu.memory_space<vmem_shared>> -> memref<10240x128xf32, #tpu.memory_space<vmem_shared>>
        tpu.wait_indirect_dma semaphore(%run_scoped3A : memref<!tpu.dma_semaphore, #tpu.memory_space<semaphore_mem>>) src(%arg9 : memref<125x128xf32, #tpu.memory_space<vmem>>) dst(%dma_wait3A_33 : memref<10240x128xf32, #tpu.memory_space<vmem_shared>>)
        tpu.yield
      }) : () -> ()
    }
    %scan3A_5 = arith.constant 80 : i32
    %barrier3A_6 = arith.constant 0 : index
    tpu.barrier barrier_id(%barrier3A_6)
    %mul3A_7 = arith.constant 640 : i32
    %mul3A_8 = arith.muli %arg1, %mul3A_7 : i32
    %mul3A_9 = arith.constant 640 : i32
    %mul3A_10 = arith.muli %arg1, %mul3A_9 : i32
    "tpu.region"() ({
      %run_scoped3A = tpu.sem_alloc : memref<!tpu.dma_semaphore, #tpu.memory_space<semaphore_mem>>
      %dma_start3A = arith.constant 0 : i32
      %dma_start3A_11 = arith.constant 0 : i32
      %dma_start3A_12 = tpu.memref_slice %arg6[%arg0, %dma_start3A, %dma_start3A_11] : memref<2x10240x128xf32, #tpu.memory_space<hbm>> -> memref<1x10240x128xf32, #tpu.memory_space<hbm>>
      %dma_start3A_13 = tpu.memref_squeeze %dma_start3A_12 : memref<1x10240x128xf32, #tpu.memory_space<hbm>> -> memref<10240x128xf32, #tpu.memory_space<hbm>>
      %dma_start3A_14 = arith.constant 0 : i32
      %dma_start3A_15 = tpu.memref_slice %dma_start3A_13[%mul3A_10, %dma_start3A_14] : memref<10240x128xf32, #tpu.memory_space<hbm>> -> memref<640x128xf32, #tpu.memory_space<hbm>>
      %dma_start3A_16 = arith.constant 0 : i32
      %dma_start3A_17 = tpu.memref_slice %arg10[%mul3A_8, %dma_start3A_16] : memref<10240x128xf32, #tpu.memory_space<vmem_shared>> -> memref<640x128xf32, #tpu.memory_space<vmem_shared>>
      tpu.enqueue_dma source(%dma_start3A_17 : memref<640x128xf32, #tpu.memory_space<vmem_shared>>) target(%dma_start3A_15 : memref<640x128xf32, #tpu.memory_space<hbm>>) target_semaphore(%run_scoped3A : memref<!tpu.dma_semaphore, #tpu.memory_space<semaphore_mem>>)
      %dma_wait3A = arith.constant 0 : i32
      %dma_wait3A_18 = arith.constant 0 : i32
      %dma_wait3A_19 = tpu.memref_slice %arg6[%arg0, %dma_wait3A, %dma_wait3A_18] : memref<2x10240x128xf32, #tpu.memory_space<hbm>> -> memref<1x10240x128xf32, #tpu.memory_space<hbm>>
      %dma_wait3A_20 = tpu.memref_squeeze %dma_wait3A_19 : memref<1x10240x128xf32, #tpu.memory_space<hbm>> -> memref<10240x128xf32, #tpu.memory_space<hbm>>
      %dma_wait3A_21 = arith.constant 0 : i32
      %dma_wait3A_22 = tpu.memref_slice %dma_wait3A_20[%mul3A_10, %dma_wait3A_21] : memref<10240x128xf32, #tpu.memory_space<hbm>> -> memref<640x128xf32, #tpu.memory_space<hbm>>
      %dma_wait3A_23 = arith.constant 0 : i32
      %dma_wait3A_24 = tpu.memref_slice %arg10[%mul3A_8, %dma_wait3A_23] : memref<10240x128xf32, #tpu.memory_space<vmem_shared>> -> memref<640x128xf32, #tpu.memory_space<vmem_shared>>
      tpu.wait_dma2 semaphore(%run_scoped3A : memref<!tpu.dma_semaphore, #tpu.memory_space<semaphore_mem>>) src(%dma_wait3A_24 : memref<640x128xf32, #tpu.memory_space<vmem_shared>>) dst(%dma_wait3A_22 : memref<640x128xf32, #tpu.memory_space<hbm>>)
      tpu.yield
    }) : () -> ()
    return
  }
}

#map = affine_map<(d0, d1) -> (0, 0)>
#map1 = affine_map<(d0, d1) -> (0, 0, 0, 0)>
#map2 = affine_map<(d0, d1) -> (0, 0, 0)>
module attributes {stable_mosaic.version = 14 : i64} {
  func.func @_seg_sum(%arg0: i32, %arg1: i32, %arg2: memref<20480x128xf32, #tpu.memory_space<hbm>>, %arg3: memref<2x16x80x125xi32, #tpu.memory_space<hbm>>, %arg4: memref<16x80x125xi32, #tpu.memory_space<hbm>>, %arg5: memref<640x128xf32, #tpu.memory_space<hbm>>, %arg6: memref<2x10240x128xf32, #tpu.memory_space<hbm>>, %arg7: memref<80x125xi32, #tpu.memory_space<vmem>>, %arg8: memref<80x125xi32, #tpu.memory_space<vmem>>, %arg9: memref<125x128xf32, #tpu.memory_space<vmem>>, %arg10: memref<10240x128xf32, #tpu.memory_space<vmem_shared>>, %arg11: memref<!tpu.dma_semaphore, #tpu.memory_space<semaphore_mem>>) attributes {dimension_semantics = [#tpu.dimension_semantics<core_parallel>, #tpu.dimension_semantics<subcore_parallel>], iteration_bounds = array<i64: 2, 16>, scalar_prefetch = 0 : i64, scratch_operands = 5 : i64, tpu.core_type = #tpu.core_type<sc_vector_subcore>, window_params = [{transform_indices = #map}, {transform_indices = #map1}, {transform_indices = #map2}, {transform_indices = #map}, {transform_indices = #map2}]} {
    %mul3A = arith.constant 640 : i32
    %mul3A_0 = arith.muli %arg1, %mul3A : i32
    "tpu.region"() ({
      %run_scoped3A = tpu.sem_alloc : memref<!tpu.dma_semaphore, #tpu.memory_space<semaphore_mem>>
      %dma_start3A = arith.constant 0 : i32
      %dma_start3A_11 = tpu.memref_slice %arg10[%mul3A_0, %dma_start3A] : memref<10240x128xf32, #tpu.memory_space<vmem_shared>> -> memref<640x128xf32, #tpu.memory_space<vmem_shared>>
      tpu.enqueue_dma source(%arg5 : memref<640x128xf32, #tpu.memory_space<hbm>>) target(%dma_start3A_11 : memref<640x128xf32, #tpu.memory_space<vmem_shared>>) target_semaphore(%run_scoped3A : memref<!tpu.dma_semaphore, #tpu.memory_space<semaphore_mem>>)
      %dma_wait3A = arith.constant 0 : i32
      %dma_wait3A_12 = tpu.memref_slice %arg10[%mul3A_0, %dma_wait3A] : memref<10240x128xf32, #tpu.memory_space<vmem_shared>> -> memref<640x128xf32, #tpu.memory_space<vmem_shared>>
      tpu.wait_dma2 semaphore(%run_scoped3A : memref<!tpu.dma_semaphore, #tpu.memory_space<semaphore_mem>>) src(%arg5 : memref<640x128xf32, #tpu.memory_space<hbm>>) dst(%dma_wait3A_12 : memref<640x128xf32, #tpu.memory_space<vmem_shared>>)
      tpu.yield
    }) : () -> ()
    "tpu.region"() ({
      %run_scoped3A = tpu.sem_alloc : memref<!tpu.dma_semaphore, #tpu.memory_space<semaphore_mem>>
      %dma_start3A = arith.constant 0 : i32
      %dma_start3A_11 = arith.constant 0 : i32
      %dma_start3A_12 = arith.constant 0 : i32
      %dma_start3A_13 = tpu.memref_slice %arg3[%arg0, %dma_start3A, %dma_start3A_11, %dma_start3A_12] : memref<2x16x80x125xi32, #tpu.memory_space<hbm>> -> memref<1x16x80x125xi32, #tpu.memory_space<hbm>>
      %dma_start3A_14 = tpu.memref_squeeze %dma_start3A_13 : memref<1x16x80x125xi32, #tpu.memory_space<hbm>> -> memref<16x80x125xi32, #tpu.memory_space<hbm>>
      %dma_start3A_15 = arith.constant 0 : i32
      %dma_start3A_16 = arith.constant 0 : i32
      %dma_start3A_17 = tpu.memref_slice %dma_start3A_14[%arg1, %dma_start3A_15, %dma_start3A_16] : memref<16x80x125xi32, #tpu.memory_space<hbm>> -> memref<1x80x125xi32, #tpu.memory_space<hbm>>
      %dma_start3A_18 = tpu.memref_squeeze %dma_start3A_17 : memref<1x80x125xi32, #tpu.memory_space<hbm>> -> memref<80x125xi32, #tpu.memory_space<hbm>>
      %dma_start3A_19 = arith.constant 0 : i32
      %dma_start3A_20 = arith.constant 0 : i32
      %dma_start3A_21 = arith.constant 0 : i32
      %dma_start3A_22 = tpu.memref_slice %arg3[%arg0, %dma_start3A_19, %dma_start3A_20, %dma_start3A_21] : memref<2x16x80x125xi32, #tpu.memory_space<hbm>> -> memref<1x16x80x125xi32, #tpu.memory_space<hbm>>
      %dma_start3A_23 = tpu.memref_squeeze %dma_start3A_22 : memref<1x16x80x125xi32, #tpu.memory_space<hbm>> -> memref<16x80x125xi32, #tpu.memory_space<hbm>>
      %dma_start3A_24 = arith.constant 0 : i32
      %dma_start3A_25 = arith.constant 0 : i32
      %dma_start3A_26 = tpu.memref_slice %dma_start3A_23[%arg1, %dma_start3A_24, %dma_start3A_25] : memref<16x80x125xi32, #tpu.memory_space<hbm>> -> memref<1x80x125xi32, #tpu.memory_space<hbm>>
      %dma_start3A_27 = tpu.memref_squeeze %dma_start3A_26 : memref<1x80x125xi32, #tpu.memory_space<hbm>> -> memref<80x125xi32, #tpu.memory_space<hbm>>
      tpu.enqueue_dma source(%dma_start3A_27 : memref<80x125xi32, #tpu.memory_space<hbm>>) target(%arg7 : memref<80x125xi32, #tpu.memory_space<vmem>>) target_semaphore(%run_scoped3A : memref<!tpu.dma_semaphore, #tpu.memory_space<semaphore_mem>>)
      %dma_wait3A = arith.constant 0 : i32
      %dma_wait3A_28 = arith.constant 0 : i32
      %dma_wait3A_29 = arith.constant 0 : i32
      %dma_wait3A_30 = tpu.memref_slice %arg3[%arg0, %dma_wait3A, %dma_wait3A_28, %dma_wait3A_29] : memref<2x16x80x125xi32, #tpu.memory_space<hbm>> -> memref<1x16x80x125xi32, #tpu.memory_space<hbm>>
      %dma_wait3A_31 = tpu.memref_squeeze %dma_wait3A_30 : memref<1x16x80x125xi32, #tpu.memory_space<hbm>> -> memref<16x80x125xi32, #tpu.memory_space<hbm>>
      %dma_wait3A_32 = arith.constant 0 : i32
      %dma_wait3A_33 = arith.constant 0 : i32
      %dma_wait3A_34 = tpu.memref_slice %dma_wait3A_31[%arg1, %dma_wait3A_32, %dma_wait3A_33] : memref<16x80x125xi32, #tpu.memory_space<hbm>> -> memref<1x80x125xi32, #tpu.memory_space<hbm>>
      %dma_wait3A_35 = tpu.memref_squeeze %dma_wait3A_34 : memref<1x80x125xi32, #tpu.memory_space<hbm>> -> memref<80x125xi32, #tpu.memory_space<hbm>>
      %dma_wait3A_36 = arith.constant 0 : i32
      %dma_wait3A_37 = arith.constant 0 : i32
      %dma_wait3A_38 = arith.constant 0 : i32
      %dma_wait3A_39 = tpu.memref_slice %arg3[%arg0, %dma_wait3A_36, %dma_wait3A_37, %dma_wait3A_38] : memref<2x16x80x125xi32, #tpu.memory_space<hbm>> -> memref<1x16x80x125xi32, #tpu.memory_space<hbm>>
      %dma_wait3A_40 = tpu.memref_squeeze %dma_wait3A_39 : memref<1x16x80x125xi32, #tpu.memory_space<hbm>> -> memref<16x80x125xi32, #tpu.memory_space<hbm>>
      %dma_wait3A_41 = arith.constant 0 : i32
      %dma_wait3A_42 = arith.constant 0 : i32
      %dma_wait3A_43 = tpu.memref_slice %dma_wait3A_40[%arg1, %dma_wait3A_41, %dma_wait3A_42] : memref<16x80x125xi32, #tpu.memory_space<hbm>> -> memref<1x80x125xi32, #tpu.memory_space<hbm>>
      %dma_wait3A_44 = tpu.memref_squeeze %dma_wait3A_43 : memref<1x80x125xi32, #tpu.memory_space<hbm>> -> memref<80x125xi32, #tpu.memory_space<hbm>>
      tpu.wait_dma2 semaphore(%run_scoped3A : memref<!tpu.dma_semaphore, #tpu.memory_space<semaphore_mem>>) src(%dma_wait3A_44 : memref<80x125xi32, #tpu.memory_space<hbm>>) dst(%arg7 : memref<80x125xi32, #tpu.memory_space<vmem>>)
      tpu.yield
    }) : () -> ()
    "tpu.region"() ({
      %run_scoped3A = tpu.sem_alloc : memref<!tpu.dma_semaphore, #tpu.memory_space<semaphore_mem>>
      %dma_start3A = arith.constant 0 : i32
      %dma_start3A_11 = arith.constant 0 : i32
      %dma_start3A_12 = tpu.memref_slice %arg4[%arg1, %dma_start3A, %dma_start3A_11] : memref<16x80x125xi32, #tpu.memory_space<hbm>> -> memref<1x80x125xi32, #tpu.memory_space<hbm>>
      %dma_start3A_13 = tpu.memref_squeeze %dma_start3A_12 : memref<1x80x125xi32, #tpu.memory_space<hbm>> -> memref<80x125xi32, #tpu.memory_space<hbm>>
      %dma_start3A_14 = arith.constant 0 : i32
      %dma_start3A_15 = arith.constant 0 : i32
      %dma_start3A_16 = tpu.memref_slice %arg4[%arg1, %dma_start3A_14, %dma_start3A_15] : memref<16x80x125xi32, #tpu.memory_space<hbm>> -> memref<1x80x125xi32, #tpu.memory_space<hbm>>
      %dma_start3A_17 = tpu.memref_squeeze %dma_start3A_16 : memref<1x80x125xi32, #tpu.memory_space<hbm>> -> memref<80x125xi32, #tpu.memory_space<hbm>>
      tpu.enqueue_dma source(%dma_start3A_17 : memref<80x125xi32, #tpu.memory_space<hbm>>) target(%arg8 : memref<80x125xi32, #tpu.memory_space<vmem>>) target_semaphore(%run_scoped3A : memref<!tpu.dma_semaphore, #tpu.memory_space<semaphore_mem>>)
      %dma_wait3A = arith.constant 0 : i32
      %dma_wait3A_18 = arith.constant 0 : i32
      %dma_wait3A_19 = tpu.memref_slice %arg4[%arg1, %dma_wait3A, %dma_wait3A_18] : memref<16x80x125xi32, #tpu.memory_space<hbm>> -> memref<1x80x125xi32, #tpu.memory_space<hbm>>
      %dma_wait3A_20 = tpu.memref_squeeze %dma_wait3A_19 : memref<1x80x125xi32, #tpu.memory_space<hbm>> -> memref<80x125xi32, #tpu.memory_space<hbm>>
      %dma_wait3A_21 = arith.constant 0 : i32
      %dma_wait3A_22 = arith.constant 0 : i32
      %dma_wait3A_23 = tpu.memref_slice %arg4[%arg1, %dma_wait3A_21, %dma_wait3A_22] : memref<16x80x125xi32, #tpu.memory_space<hbm>> -> memref<1x80x125xi32, #tpu.memory_space<hbm>>
      %dma_wait3A_24 = tpu.memref_squeeze %dma_wait3A_23 : memref<1x80x125xi32, #tpu.memory_space<hbm>> -> memref<80x125xi32, #tpu.memory_space<hbm>>
      tpu.wait_dma2 semaphore(%run_scoped3A : memref<!tpu.dma_semaphore, #tpu.memory_space<semaphore_mem>>) src(%dma_wait3A_24 : memref<80x125xi32, #tpu.memory_space<hbm>>) dst(%arg8 : memref<80x125xi32, #tpu.memory_space<vmem>>)
      tpu.yield
    }) : () -> ()
    %barrier3A = arith.constant 0 : index
    tpu.barrier barrier_id(%barrier3A)
    %scan3A = arith.constant 0 : i32
    %scan3A_1 = arith.constant 0 : i32
    %scan3A_2 = arith.constant 80 : i32
    %scan3A_3 = arith.addi %scan3A_1, %scan3A_2 : i32
    %scan3A_4 = arith.constant 1 : i32
    scf.for %scan3A_11 = %scan3A_1 to %scan3A_3 step %scan3A_4  : i32 {
      %dma_start3A = arith.constant 0 : i32
      %dma_start3A_12 = tpu.memref_slice %arg7[%scan3A_11, %dma_start3A] : memref<80x125xi32, #tpu.memory_space<vmem>> -> memref<1x125xi32, #tpu.memory_space<vmem>>
      %dma_start3A_13 = tpu.memref_squeeze %dma_start3A_12 : memref<1x125xi32, #tpu.memory_space<vmem>> -> memref<125xi32, #tpu.memory_space<vmem>>
      %dma_start3A_14 = arith.constant 0 : i32
      %dma_start3A_15 = arith.constant 0 : i32
      %dma_start3A_16 = tpu.memref_slice %arg2[%dma_start3A_14, %dma_start3A_15] : memref<20480x128xf32, #tpu.memory_space<hbm>> -> memref<20480x128xf32, #tpu.memory_space<hbm>>
      tpu.enqueue_indirect_dma source(%dma_start3A_16 : memref<20480x128xf32, #tpu.memory_space<hbm>>) target(%arg9 : memref<125x128xf32, #tpu.memory_space<vmem>>) offsets(%dma_start3A_13 : memref<125xi32, #tpu.memory_space<vmem>>) semaphore(%arg11 : memref<!tpu.dma_semaphore, #tpu.memory_space<semaphore_mem>>)
      %dma_wait3A = arith.constant 0 : i32
      %dma_wait3A_17 = tpu.memref_slice %arg7[%scan3A_11, %dma_wait3A] : memref<80x125xi32, #tpu.memory_space<vmem>> -> memref<1x125xi32, #tpu.memory_space<vmem>>
      %dma_wait3A_18 = tpu.memref_squeeze %dma_wait3A_17 : memref<1x125xi32, #tpu.memory_space<vmem>> -> memref<125xi32, #tpu.memory_space<vmem>>
      %dma_wait3A_19 = arith.constant 0 : i32
      %dma_wait3A_20 = arith.constant 0 : i32
      %dma_wait3A_21 = tpu.memref_slice %arg2[%dma_wait3A_19, %dma_wait3A_20] : memref<20480x128xf32, #tpu.memory_space<hbm>> -> memref<20480x128xf32, #tpu.memory_space<hbm>>
      tpu.wait_indirect_dma semaphore(%arg11 : memref<!tpu.dma_semaphore, #tpu.memory_space<semaphore_mem>>) src(%dma_wait3A_21 : memref<20480x128xf32, #tpu.memory_space<hbm>>) dst(%arg9 : memref<125x128xf32, #tpu.memory_space<vmem>>)
      "tpu.region"() ({
        %run_scoped3A = tpu.sem_alloc : memref<!tpu.dma_semaphore, #tpu.memory_space<semaphore_mem>>
        %dma_start3A_22 = arith.constant 0 : i32
        %dma_start3A_23 = tpu.memref_slice %arg8[%scan3A_11, %dma_start3A_22] : memref<80x125xi32, #tpu.memory_space<vmem>> -> memref<1x125xi32, #tpu.memory_space<vmem>>
        %dma_start3A_24 = tpu.memref_squeeze %dma_start3A_23 : memref<1x125xi32, #tpu.memory_space<vmem>> -> memref<125xi32, #tpu.memory_space<vmem>>
        %dma_start3A_25 = arith.constant 0 : i32
        %dma_start3A_26 = arith.constant 0 : i32
        %dma_start3A_27 = tpu.memref_slice %arg10[%dma_start3A_25, %dma_start3A_26] : memref<10240x128xf32, #tpu.memory_space<vmem_shared>> -> memref<10240x128xf32, #tpu.memory_space<vmem_shared>>
        tpu.enqueue_indirect_dma source(%arg9 : memref<125x128xf32, #tpu.memory_space<vmem>>) target(%dma_start3A_27 : memref<10240x128xf32, #tpu.memory_space<vmem_shared>>) offsets(%dma_start3A_24 : memref<125xi32, #tpu.memory_space<vmem>>) semaphore(%run_scoped3A : memref<!tpu.dma_semaphore, #tpu.memory_space<semaphore_mem>>) {add = true}
        %dma_wait3A_28 = arith.constant 0 : i32
        %dma_wait3A_29 = tpu.memref_slice %arg8[%scan3A_11, %dma_wait3A_28] : memref<80x125xi32, #tpu.memory_space<vmem>> -> memref<1x125xi32, #tpu.memory_space<vmem>>
        %dma_wait3A_30 = tpu.memref_squeeze %dma_wait3A_29 : memref<1x125xi32, #tpu.memory_space<vmem>> -> memref<125xi32, #tpu.memory_space<vmem>>
        %dma_wait3A_31 = arith.constant 0 : i32
        %dma_wait3A_32 = arith.constant 0 : i32
        %dma_wait3A_33 = tpu.memref_slice %arg10[%dma_wait3A_31, %dma_wait3A_32] : memref<10240x128xf32, #tpu.memory_space<vmem_shared>> -> memref<10240x128xf32, #tpu.memory_space<vmem_shared>>
        tpu.wait_indirect_dma semaphore(%run_scoped3A : memref<!tpu.dma_semaphore, #tpu.memory_space<semaphore_mem>>) src(%arg9 : memref<125x128xf32, #tpu.memory_space<vmem>>) dst(%dma_wait3A_33 : memref<10240x128xf32, #tpu.memory_space<vmem_shared>>)
        tpu.yield
      }) : () -> ()
    }
    %scan3A_5 = arith.constant 80 : i32
    %barrier3A_6 = arith.constant 0 : index
    tpu.barrier barrier_id(%barrier3A_6)
    %mul3A_7 = arith.constant 640 : i32
    %mul3A_8 = arith.muli %arg1, %mul3A_7 : i32
    %mul3A_9 = arith.constant 640 : i32
    %mul3A_10 = arith.muli %arg1, %mul3A_9 : i32
    "tpu.region"() ({
      %run_scoped3A = tpu.sem_alloc : memref<!tpu.dma_semaphore, #tpu.memory_space<semaphore_mem>>
      %dma_start3A = arith.constant 0 : i32
      %dma_start3A_11 = arith.constant 0 : i32
      %dma_start3A_12 = tpu.memref_slice %arg6[%arg0, %dma_start3A, %dma_start3A_11] : memref<2x10240x128xf32, #tpu.memory_space<hbm>> -> memref<1x10240x128xf32, #tpu.memory_space<hbm>>
      %dma_start3A_13 = tpu.memref_squeeze %dma_start3A_12 : memref<1x10240x128xf32, #tpu.memory_space<hbm>> -> memref<10240x128xf32, #tpu.memory_space<hbm>>
      %dma_start3A_14 = arith.constant 0 : i32
      %dma_start3A_15 = tpu.memref_slice %dma_start3A_13[%mul3A_10, %dma_start3A_14] : memref<10240x128xf32, #tpu.memory_space<hbm>> -> memref<640x128xf32, #tpu.memory_space<hbm>>
      %dma_start3A_16 = arith.constant 0 : i32
      %dma_start3A_17 = tpu.memref_slice %arg10[%mul3A_8, %dma_start3A_16] : memref<10240x128xf32, #tpu.memory_space<vmem_shared>> -> memref<640x128xf32, #tpu.memory_space<vmem_shared>>
      tpu.enqueue_dma source(%dma_start3A_17 : memref<640x128xf32, #tpu.memory_space<vmem_shared>>) target(%dma_start3A_15 : memref<640x128xf32, #tpu.memory_space<hbm>>) target_semaphore(%run_scoped3A : memref<!tpu.dma_semaphore, #tpu.memory_space<semaphore_mem>>)
      %dma_wait3A = arith.constant 0 : i32
      %dma_wait3A_18 = arith.constant 0 : i32
      %dma_wait3A_19 = tpu.memref_slice %arg6[%arg0, %dma_wait3A, %dma_wait3A_18] : memref<2x10240x128xf32, #tpu.memory_space<hbm>> -> memref<1x10240x128xf32, #tpu.memory_space<hbm>>
      %dma_wait3A_20 = tpu.memref_squeeze %dma_wait3A_19 : memref<1x10240x128xf32, #tpu.memory_space<hbm>> -> memref<10240x128xf32, #tpu.memory_space<hbm>>
      %dma_wait3A_21 = arith.constant 0 : i32
      %dma_wait3A_22 = tpu.memref_slice %dma_wait3A_20[%mul3A_10, %dma_wait3A_21] : memref<10240x128xf32, #tpu.memory_space<hbm>> -> memref<640x128xf32, #tpu.memory_space<hbm>>
      %dma_wait3A_23 = arith.constant 0 : i32
      %dma_wait3A_24 = tpu.memref_slice %arg10[%mul3A_8, %dma_wait3A_23] : memref<10240x128xf32, #tpu.memory_space<vmem_shared>> -> memref<640x128xf32, #tpu.memory_space<vmem_shared>>
      tpu.wait_dma2 semaphore(%run_scoped3A : memref<!tpu.dma_semaphore, #tpu.memory_space<semaphore_mem>>) src(%dma_wait3A_24 : memref<640x128xf32, #tpu.memory_space<vmem_shared>>) dst(%dma_wait3A_22 : memref<640x128xf32, #tpu.memory_space<hbm>>)
      tpu.yield
    }) : () -> ()
    return
  }
}

module attributes {stable_mosaic.version = 14 : i64} {
  func.func @_dense0_body(%arg0: i32, %arg1: memref<2x1000x128xf32, #tpu.memory_space<vmem>>, %arg2: memref<1000x256xf32, #tpu.memory_space<vmem>>, %arg3: memref<256x256xf32, #tpu.memory_space<vmem>>, %arg4: memref<256x256xf32, #tpu.memory_space<vmem>>, %arg5: memref<1x256xf32, #tpu.memory_space<vmem>>, %arg6: memref<2x1000x128xf32, #tpu.memory_space<vmem>>, %arg7: memref<1x256xf32, #tpu.memory_space<vmem>>, %arg8: memref<1x256xf32, #tpu.memory_space<vmem>>) attributes {dimension_semantics = [#tpu.dimension_semantics<arbitrary>], iteration_bounds = array<i64: 10>, scalar_prefetch = 0 : i64, scratch_operands = 0 : i64, tpu.core_type = #tpu.core_type<tc>, window_params = [{transform_indices = @transform_0, window_bounds = array<i64: 2, 1000, 128>}, {transform_indices = @transform_1, window_bounds = array<i64: 1000, 256>}, {pipeline_mode = #tpu.pipeline_mode<synchronous>, transform_indices = @transform_2, window_bounds = array<i64: 256, 256>}, {pipeline_mode = #tpu.pipeline_mode<synchronous>, transform_indices = @transform_3, window_bounds = array<i64: 256, 256>}, {pipeline_mode = #tpu.pipeline_mode<synchronous>, transform_indices = @transform_4, window_bounds = array<i64: 1, 256>}, {transform_indices = @transform_5, window_bounds = array<i64: 2, 1000, 128>}, {pipeline_mode = #tpu.pipeline_mode<synchronous>, transform_indices = @transform_6, window_bounds = array<i64: 1, 256>}, {pipeline_mode = #tpu.pipeline_mode<synchronous>, transform_indices = @transform_7, window_bounds = array<i64: 1, 256>}]} {
    %get3A = arith.constant 0 : index
    %get3A_0 = arith.constant 0 : index
    %get3A_1 = arith.constant 0 : index
    %get3A_2 = vector.load %arg1[%get3A, %get3A_0, %get3A_1] : memref<2x1000x128xf32, #tpu.memory_space<vmem>>, vector<1x1000x128xf32>
    %get3A_3 = vector.shape_cast %get3A_2 : vector<1x1000x128xf32> to vector<1000x128xf32>
    %get3A_4 = arith.constant 1 : index
    %get3A_5 = arith.constant 0 : index
    %get3A_6 = arith.constant 0 : index
    %get3A_7 = vector.load %arg1[%get3A_4, %get3A_5, %get3A_6] : memref<2x1000x128xf32, #tpu.memory_space<vmem>>, vector<1x1000x128xf32>
    %get3A_8 = vector.shape_cast %get3A_7 : vector<1x1000x128xf32> to vector<1000x128xf32>
    %concatenate3A = tpu.concatenate %get3A_3, %get3A_8 in 1 : vector<1000x128xf32>, vector<1000x128xf32> -> vector<1000x256xf32>
    %get3A_9 = arith.constant 0 : index
    %get3A_10 = arith.constant 0 : index
    %get3A_11 = vector.load %arg2[%get3A_9, %get3A_10] : memref<1000x256xf32, #tpu.memory_space<vmem>>, vector<1000x256xf32>
    %get3A_12 = arith.constant 0 : index
    %get3A_13 = arith.constant 0 : index
    %get3A_14 = vector.load %arg3[%get3A_12, %get3A_13] : memref<256x256xf32, #tpu.memory_space<vmem>>, vector<256x256xf32>
    %dot_general3A = arith.constant dense<0.000000e+00> : vector<1000x256xf32>
    %dot_general3A_15 = tpu.matmul %concatenate3A, %get3A_14, %dot_general3A {dimension_numbers = #tpu.dot_dimension_numbers<[1], [0], [0], [1], [0, 0, 1, 1], [], []>, transpose_lhs_hint = false} : vector<1000x256xf32>, vector<256x256xf32>, vector<1000x256xf32> -> vector<1000x256xf32>
    %get3A_16 = arith.constant 0 : index
    %get3A_17 = arith.constant 0 : index
    %get3A_18 = vector.load %arg4[%get3A_16, %get3A_17] : memref<256x256xf32, #tpu.memory_space<vmem>>, vector<256x256xf32>
    %dot_general3A_19 = arith.constant dense<0.000000e+00> : vector<1000x256xf32>
    %dot_general3A_20 = tpu.matmul %get3A_11, %get3A_18, %dot_general3A_19 {dimension_numbers = #tpu.dot_dimension_numbers<[1], [0], [0], [1], [0, 0, 1, 1], [], []>, transpose_lhs_hint = false} : vector<1000x256xf32>, vector<256x256xf32>, vector<1000x256xf32> -> vector<1000x256xf32>
    %add3A = arith.addf %dot_general3A_15, %dot_general3A_20 : vector<1000x256xf32>
    %get3A_21 = arith.constant 0 : index
    %get3A_22 = arith.constant 0 : index
    %get3A_23 = vector.load %arg5[%get3A_21, %get3A_22] : memref<1x256xf32, #tpu.memory_space<vmem>>, vector<1x256xf32>
    %add3A_24 = vector.broadcast %get3A_23 : vector<1x256xf32> to vector<1000x256xf32>
    %add3A_25 = arith.addf %add3A, %add3A_24 : vector<1000x256xf32>
    %jit3A = arith.constant 2.000000e-01 : f32
    %ge3A = arith.constant 0.000000e+00 : f32
    %ge3A_26 = vector.broadcast %ge3A : f32 to vector<1000x256xf32>
    %ge3A_27 = arith.cmpf oge, %add3A_25, %ge3A_26 : vector<1000x256xf32>
    %mul3A = vector.broadcast %jit3A : f32 to vector<1000x256xf32>
    %mul3A_28 = arith.mulf %mul3A, %add3A_25 : vector<1000x256xf32>
    %select_n3A = arith.select %ge3A_27, %add3A_25, %mul3A_28 : vector<1000x256xi1>, vector<1000x256xf32>
    %jit3A_29 = arith.constant 2.000000e-01 : f32
    %ge3A_30 = arith.constant 0.000000e+00 : f32
    %ge3A_31 = vector.broadcast %ge3A_30 : f32 to vector<1000x256xf32>
    %ge3A_32 = arith.cmpf oge, %select_n3A, %ge3A_31 : vector<1000x256xf32>
    %mul3A_33 = vector.broadcast %jit3A_29 : f32 to vector<1000x256xf32>
    %mul3A_34 = arith.mulf %mul3A_33, %select_n3A : vector<1000x256xf32>
    %select_n3A_35 = arith.select %ge3A_32, %select_n3A, %mul3A_34 : vector<1000x256xi1>, vector<1000x256xf32>
    %slice3A = vector.extract_strided_slice %select_n3A_35 {offsets = [0, 0], sizes = [1000, 128], strides = [1, 1]} : vector<1000x256xf32> to vector<1000x128xf32>
    %swap3A = arith.constant 0 : index
    %swap3A_36 = arith.constant 0 : index
    %swap3A_37 = arith.constant 0 : index
    %swap3A_38 = vector.load %arg6[%swap3A, %swap3A_36, %swap3A_37] : memref<2x1000x128xf32, #tpu.memory_space<vmem>>, vector<1x1000x128xf32>
    %swap3A_39 = vector.shape_cast %swap3A_38 : vector<1x1000x128xf32> to vector<1000x128xf32>
    %swap3A_40 = vector.shape_cast %slice3A : vector<1000x128xf32> to vector<1x1000x128xf32>
    tpu.vector_store %arg6[%swap3A, %swap3A_36, %swap3A_37], %swap3A_40 {strides = array<i32>} : memref<2x1000x128xf32, #tpu.memory_space<vmem>>, vector<1x1000x128xf32>,
    %slice3A_41 = vector.extract_strided_slice %select_n3A_35 {offsets = [0, 128], sizes = [1000, 128], strides = [1, 1]} : vector<1000x256xf32> to vector<1000x128xf32>
    %swap3A_42 = arith.constant 1 : index
    %swap3A_43 = arith.constant 0 : index
    %swap3A_44 = arith.constant 0 : index
    %swap3A_45 = vector.load %arg6[%swap3A_42, %swap3A_43, %swap3A_44] : memref<2x1000x128xf32, #tpu.memory_space<vmem>>, vector<1x1000x128xf32>
    %swap3A_46 = vector.shape_cast %swap3A_45 : vector<1x1000x128xf32> to vector<1000x128xf32>
    %swap3A_47 = vector.shape_cast %slice3A_41 : vector<1000x128xf32> to vector<1x1000x128xf32>
    tpu.vector_store %arg6[%swap3A_42, %swap3A_43, %swap3A_44], %swap3A_47 {strides = array<i32>} : memref<2x1000x128xf32, #tpu.memory_space<vmem>>, vector<1x1000x128xf32>,
    %eq3A = arith.constant 0 : i32
    %eq3A_48 = arith.cmpi eq, %arg0, %eq3A : i32
    %convert_element_type3A = arith.extui %eq3A_48 : i1 to i32
    %cond3A = arith.constant 0 : i32
    %cond3A_49 = arith.cmpi ne, %convert_element_type3A, %cond3A : i32
    scf.if %cond3A_49 {
      %broadcast_in_dim3A_68 = arith.constant 0.000000e+00 : f32
      %broadcast_in_dim3A_69 = vector.broadcast %broadcast_in_dim3A_68 : f32 to vector<1x256xf32>
      %swap3A_70 = arith.constant 0 : index
      %swap3A_71 = arith.constant 0 : index
      %swap3A_72 = vector.load %arg7[%swap3A_70, %swap3A_71] : memref<1x256xf32, #tpu.memory_space<vmem>>, vector<1x256xf32>
      tpu.vector_store %arg7[%swap3A_70, %swap3A_71], %broadcast_in_dim3A_69 {strides = array<i32>} : memref<1x256xf32, #tpu.memory_space<vmem>>, vector<1x256xf32>,
      %broadcast_in_dim3A_73 = arith.constant 0.000000e+00 : f32
      %broadcast_in_dim3A_74 = vector.broadcast %broadcast_in_dim3A_73 : f32 to vector<1x256xf32>
      %swap3A_75 = arith.constant 0 : index
      %swap3A_76 = arith.constant 0 : index
      %swap3A_77 = vector.load %arg8[%swap3A_75, %swap3A_76] : memref<1x256xf32, #tpu.memory_space<vmem>>, vector<1x256xf32>
      tpu.vector_store %arg8[%swap3A_75, %swap3A_76], %broadcast_in_dim3A_74 {strides = array<i32>} : memref<1x256xf32, #tpu.memory_space<vmem>>, vector<1x256xf32>,
    } else {
    }
    %get3A_50 = arith.constant 0 : index
    %get3A_51 = arith.constant 0 : index
    %get3A_52 = vector.load %arg7[%get3A_50, %get3A_51] : memref<1x256xf32, #tpu.memory_space<vmem>>, vector<1x256xf32>
    %reduce_sum3A = arith.constant dense<0.000000e+00> : vector<256xf32>
    %reduce_sum3A_53 = vector.multi_reduction <add>, %get3A_11, %reduce_sum3A [0] : vector<1000x256xf32> to vector<256xf32>
    %broadcast_in_dim3A = vector.shape_cast %reduce_sum3A_53 : vector<256xf32> to vector<1x256xf32>
    %add3A_54 = arith.addf %get3A_52, %broadcast_in_dim3A : vector<1x256xf32>
    %swap3A_55 = arith.constant 0 : index
    %swap3A_56 = arith.constant 0 : index
    %swap3A_57 = vector.load %arg7[%swap3A_55, %swap3A_56] : memref<1x256xf32, #tpu.memory_space<vmem>>, vector<1x256xf32>
    tpu.vector_store %arg7[%swap3A_55, %swap3A_56], %add3A_54 {strides = array<i32>} : memref<1x256xf32, #tpu.memory_space<vmem>>, vector<1x256xf32>,
    %get3A_58 = arith.constant 0 : index
    %get3A_59 = arith.constant 0 : index
    %get3A_60 = vector.load %arg8[%get3A_58, %get3A_59] : memref<1x256xf32, #tpu.memory_space<vmem>>, vector<1x256xf32>
    %reduce_sum3A_61 = arith.constant dense<0.000000e+00> : vector<256xf32>
    %reduce_sum3A_62 = vector.multi_reduction <add>, %select_n3A_35, %reduce_sum3A_61 [0] : vector<1000x256xf32> to vector<256xf32>
    %broadcast_in_dim3A_63 = vector.shape_cast %reduce_sum3A_62 : vector<256xf32> to vector<1x256xf32>
    %add3A_64 = arith.addf %get3A_60, %broadcast_in_dim3A_63 : vector<1x256xf32>
    %swap3A_65 = arith.constant 0 : index
    %swap3A_66 = arith.constant 0 : index
    %swap3A_67 = vector.load %arg8[%swap3A_65, %swap3A_66] : memref<1x256xf32, #tpu.memory_space<vmem>>, vector<1x256xf32>
    tpu.vector_store %arg8[%swap3A_65, %swap3A_66], %add3A_64 {strides = array<i32>} : memref<1x256xf32, #tpu.memory_space<vmem>>, vector<1x256xf32>,
    return
  }
  func.func @transform_0(%arg0: i32) -> (i32, i32, i32) {
    %c0_i32 = arith.constant 0 : i32
    %c0_i32_0 = arith.constant 0 : i32
    %c0_i32_1 = arith.constant 0 : i32
    return %c0_i32, %arg0, %c0_i32_0 : i32, i32, i32
  }
  func.func @transform_1(%arg0: i32) -> (i32, i32) {
    %c0_i32 = arith.constant 0 : i32
    %c0_i32_0 = arith.constant 0 : i32
    return %arg0, %c0_i32 : i32, i32
  }
  func.func @transform_2(%arg0: i32) -> (i32, i32) {
    %c0_i32 = arith.constant 0 : i32
    %c0_i32_0 = arith.constant 0 : i32
    %c0_i32_1 = arith.constant 0 : i32
    return %c0_i32, %c0_i32_0 : i32, i32
  }
  func.func @transform_3(%arg0: i32) -> (i32, i32) {
    %c0_i32 = arith.constant 0 : i32
    %c0_i32_0 = arith.constant 0 : i32
    %c0_i32_1 = arith.constant 0 : i32
    return %c0_i32, %c0_i32_0 : i32, i32
  }
  func.func @transform_4(%arg0: i32) -> (i32, i32) {
    %c0_i32 = arith.constant 0 : i32
    %c0_i32_0 = arith.constant 0 : i32
    %c0_i32_1 = arith.constant 0 : i32
    return %c0_i32, %c0_i32_0 : i32, i32
  }
  func.func @transform_5(%arg0: i32) -> (i32, i32, i32) {
    %c0_i32 = arith.constant 0 : i32
    %c0_i32_0 = arith.constant 0 : i32
    %c0_i32_1 = arith.constant 0 : i32
    return %c0_i32, %arg0, %c0_i32_0 : i32, i32, i32
  }
  func.func @transform_6(%arg0: i32) -> (i32, i32) {
    %c0_i32 = arith.constant 0 : i32
    %c0_i32_0 = arith.constant 0 : i32
    %c0_i32_1 = arith.constant 0 : i32
    return %c0_i32, %c0_i32_0 : i32, i32
  }
  func.func @transform_7(%arg0: i32) -> (i32, i32) {
    %c0_i32 = arith.constant 0 : i32
    %c0_i32_0 = arith.constant 0 : i32
    %c0_i32_1 = arith.constant 0 : i32
    return %c0_i32, %c0_i32_0 : i32, i32
  }
}

module attributes {stable_mosaic.version = 14 : i64} {
  func.func @_dense1_body(%arg0: i32, %arg1: memref<2x1000x128xf32, #tpu.memory_space<vmem>>, %arg2: memref<2x1000x128xf32, #tpu.memory_space<vmem>>, %arg3: memref<256x256xf32, #tpu.memory_space<vmem>>, %arg4: memref<256x256xf32, #tpu.memory_space<vmem>>, %arg5: memref<1x256xf32, #tpu.memory_space<vmem>>, %arg6: memref<1x256xf32, #tpu.memory_space<vmem>>, %arg7: memref<1x256xf32, #tpu.memory_space<vmem>>, %arg8: memref<256x128xf32, #tpu.memory_space<vmem>>, %arg9: memref<256x128xf32, #tpu.memory_space<vmem>>, %arg10: memref<256x128xf32, #tpu.memory_space<vmem>>, %arg11: memref<1x128xf32, #tpu.memory_space<vmem>>, %arg12: memref<1x128xf32, #tpu.memory_space<vmem>>, %arg13: memref<1x128xf32, #tpu.memory_space<vmem>>, %arg14: memref<1x128xf32, #tpu.memory_space<vmem>>) attributes {dimension_semantics = [#tpu.dimension_semantics<arbitrary>], iteration_bounds = array<i64: 10>, scalar_prefetch = 0 : i64, scratch_operands = 0 : i64, tpu.core_type = #tpu.core_type<tc>, window_params = [{transform_indices = @transform_0, window_bounds = array<i64: 2, 1000, 128>}, {transform_indices = @transform_1, window_bounds = array<i64: 2, 1000, 128>}, {pipeline_mode = #tpu.pipeline_mode<synchronous>, transform_indices = @transform_2, window_bounds = array<i64: 256, 256>}, {pipeline_mode = #tpu.pipeline_mode<synchronous>, transform_indices = @transform_3, window_bounds = array<i64: 256, 256>}, {pipeline_mode = #tpu.pipeline_mode<synchronous>, transform_indices = @transform_4, window_bounds = array<i64: 1, 256>}, {pipeline_mode = #tpu.pipeline_mode<synchronous>, transform_indices = @transform_5, window_bounds = array<i64: 1, 256>}, {pipeline_mode = #tpu.pipeline_mode<synchronous>, transform_indices = @transform_6, window_bounds = array<i64: 1, 256>}, {pipeline_mode = #tpu.pipeline_mode<synchronous>, transform_indices = @transform_7, window_bounds = array<i64: 256, 128>}, {pipeline_mode = #tpu.pipeline_mode<synchronous>, transform_indices = @transform_8, window_bounds = array<i64: 256, 128>}, {pipeline_mode = #tpu.pipeline_mode<synchronous>, transform_indices = @transform_9, window_bounds = array<i64: 256, 128>}, {pipeline_mode = #tpu.pipeline_mode<synchronous>, transform_indices = @transform_10, window_bounds = array<i64: 1, 128>}, {pipeline_mode = #tpu.pipeline_mode<synchronous>, transform_indices = @transform_11, window_bounds = array<i64: 1, 128>}, {pipeline_mode = #tpu.pipeline_mode<synchronous>, transform_indices = @transform_12, window_bounds = array<i64: 1, 128>}, {pipeline_mode = #tpu.pipeline_mode<synchronous>, transform_indices = @transform_13, window_bounds = array<i64: 1, 128>}]} {
    %get3A = arith.constant 0 : index
    %get3A_0 = arith.constant 0 : index
    %get3A_1 = arith.constant 0 : index
    %get3A_2 = vector.load %arg1[%get3A, %get3A_0, %get3A_1] : memref<2x1000x128xf32, #tpu.memory_space<vmem>>, vector<1x1000x128xf32>
    %get3A_3 = vector.shape_cast %get3A_2 : vector<1x1000x128xf32> to vector<1000x128xf32>
    %get3A_4 = arith.constant 1 : index
    %get3A_5 = arith.constant 0 : index
    %get3A_6 = arith.constant 0 : index
    %get3A_7 = vector.load %arg1[%get3A_4, %get3A_5, %get3A_6] : memref<2x1000x128xf32, #tpu.memory_space<vmem>>, vector<1x1000x128xf32>
    %get3A_8 = vector.shape_cast %get3A_7 : vector<1x1000x128xf32> to vector<1000x128xf32>
    %concatenate3A = tpu.concatenate %get3A_3, %get3A_8 in 1 : vector<1000x128xf32>, vector<1000x128xf32> -> vector<1000x256xf32>
    %get3A_9 = arith.constant 0 : index
    %get3A_10 = arith.constant 0 : index
    %get3A_11 = arith.constant 0 : index
    %get3A_12 = vector.load %arg2[%get3A_9, %get3A_10, %get3A_11] : memref<2x1000x128xf32, #tpu.memory_space<vmem>>, vector<1x1000x128xf32>
    %get3A_13 = vector.shape_cast %get3A_12 : vector<1x1000x128xf32> to vector<1000x128xf32>
    %get3A_14 = arith.constant 1 : index
    %get3A_15 = arith.constant 0 : index
    %get3A_16 = arith.constant 0 : index
    %get3A_17 = vector.load %arg2[%get3A_14, %get3A_15, %get3A_16] : memref<2x1000x128xf32, #tpu.memory_space<vmem>>, vector<1x1000x128xf32>
    %get3A_18 = vector.shape_cast %get3A_17 : vector<1x1000x128xf32> to vector<1000x128xf32>
    %concatenate3A_19 = tpu.concatenate %get3A_13, %get3A_18 in 1 : vector<1000x128xf32>, vector<1000x128xf32> -> vector<1000x256xf32>
    %get3A_20 = arith.constant 0 : index
    %get3A_21 = arith.constant 0 : index
    %get3A_22 = vector.load %arg3[%get3A_20, %get3A_21] : memref<256x256xf32, #tpu.memory_space<vmem>>, vector<256x256xf32>
    %dot_general3A = arith.constant dense<0.000000e+00> : vector<1000x256xf32>
    %dot_general3A_23 = tpu.matmul %concatenate3A, %get3A_22, %dot_general3A {dimension_numbers = #tpu.dot_dimension_numbers<[1], [0], [0], [1], [0, 0, 1, 1], [], []>, transpose_lhs_hint = false} : vector<1000x256xf32>, vector<256x256xf32>, vector<1000x256xf32> -> vector<1000x256xf32>
    %get3A_24 = arith.constant 0 : index
    %get3A_25 = arith.constant 0 : index
    %get3A_26 = vector.load %arg4[%get3A_24, %get3A_25] : memref<256x256xf32, #tpu.memory_space<vmem>>, vector<256x256xf32>
    %dot_general3A_27 = arith.constant dense<0.000000e+00> : vector<1000x256xf32>
    %dot_general3A_28 = tpu.matmul %concatenate3A_19, %get3A_26, %dot_general3A_27 {dimension_numbers = #tpu.dot_dimension_numbers<[1], [0], [0], [1], [0, 0, 1, 1], [], []>, transpose_lhs_hint = false} : vector<1000x256xf32>, vector<256x256xf32>, vector<1000x256xf32> -> vector<1000x256xf32>
    %add3A = arith.addf %dot_general3A_23, %dot_general3A_28 : vector<1000x256xf32>
    %get3A_29 = arith.constant 0 : index
    %get3A_30 = arith.constant 0 : index
    %get3A_31 = vector.load %arg5[%get3A_29, %get3A_30] : memref<1x256xf32, #tpu.memory_space<vmem>>, vector<1x256xf32>
    %add3A_32 = vector.broadcast %get3A_31 : vector<1x256xf32> to vector<1000x256xf32>
    %add3A_33 = arith.addf %add3A, %add3A_32 : vector<1000x256xf32>
    %jit3A = arith.constant 2.000000e-01 : f32
    %ge3A = arith.constant 0.000000e+00 : f32
    %ge3A_34 = vector.broadcast %ge3A : f32 to vector<1000x256xf32>
    %ge3A_35 = arith.cmpf oge, %add3A_33, %ge3A_34 : vector<1000x256xf32>
    %mul3A = vector.broadcast %jit3A : f32 to vector<1000x256xf32>
    %mul3A_36 = arith.mulf %mul3A, %add3A_33 : vector<1000x256xf32>
    %select_n3A = arith.select %ge3A_35, %add3A_33, %mul3A_36 : vector<1000x256xi1>, vector<1000x256xf32>
    %jit3A_37 = arith.constant 2.000000e-01 : f32
    %ge3A_38 = arith.constant 0.000000e+00 : f32
    %ge3A_39 = vector.broadcast %ge3A_38 : f32 to vector<1000x256xf32>
    %ge3A_40 = arith.cmpf oge, %select_n3A, %ge3A_39 : vector<1000x256xf32>
    %mul3A_41 = vector.broadcast %jit3A_37 : f32 to vector<1000x256xf32>
    %mul3A_42 = arith.mulf %mul3A_41, %select_n3A : vector<1000x256xf32>
    %select_n3A_43 = arith.select %ge3A_40, %select_n3A, %mul3A_42 : vector<1000x256xi1>, vector<1000x256xf32>
    %reduce_sum3A = arith.constant dense<0.000000e+00> : vector<256xf32>
    %reduce_sum3A_44 = vector.multi_reduction <add>, %select_n3A_43, %reduce_sum3A [0] : vector<1000x256xf32> to vector<256xf32>
    %broadcast_in_dim3A = vector.shape_cast %reduce_sum3A_44 : vector<256xf32> to vector<1x256xf32>
    %eq3A = arith.constant 0 : i32
    %eq3A_45 = arith.cmpi eq, %arg0, %eq3A : i32
    %convert_element_type3A = arith.extui %eq3A_45 : i1 to i32
    %cond3A = arith.constant 0 : i32
    %cond3A_46 = arith.cmpi ne, %convert_element_type3A, %cond3A : i32
    scf.if %cond3A_46 {
      %get3A_58 = arith.constant 0 : index
      %get3A_59 = arith.constant 0 : index
      %get3A_60 = vector.load %arg6[%get3A_58, %get3A_59] : memref<1x256xf32, #tpu.memory_space<vmem>>, vector<1x256xf32>
      %get3A_61 = arith.constant 0 : index
      %get3A_62 = arith.constant 0 : index
      %get3A_63 = vector.load %arg8[%get3A_61, %get3A_62] : memref<256x128xf32, #tpu.memory_space<vmem>>, vector<256x128xf32>
      %dot_general3A_64 = arith.constant dense<0.000000e+00> : vector<1x128xf32>
      %dot_general3A_65 = tpu.matmul %get3A_60, %get3A_63, %dot_general3A_64 {dimension_numbers = #tpu.dot_dimension_numbers<[1], [0], [0], [1], [0, 0, 1, 1], [], []>, transpose_lhs_hint = false} : vector<1x256xf32>, vector<256x128xf32>, vector<1x128xf32> -> vector<1x128xf32>
      %get3A_66 = arith.constant 0 : index
      %get3A_67 = arith.constant 0 : index
      %get3A_68 = vector.load %arg7[%get3A_66, %get3A_67] : memref<1x256xf32, #tpu.memory_space<vmem>>, vector<1x256xf32>
      %get3A_69 = arith.constant 0 : index
      %get3A_70 = arith.constant 0 : index
      %get3A_71 = vector.load %arg9[%get3A_69, %get3A_70] : memref<256x128xf32, #tpu.memory_space<vmem>>, vector<256x128xf32>
      %dot_general3A_72 = arith.constant dense<0.000000e+00> : vector<1x128xf32>
      %dot_general3A_73 = tpu.matmul %get3A_68, %get3A_71, %dot_general3A_72 {dimension_numbers = #tpu.dot_dimension_numbers<[1], [0], [0], [1], [0, 0, 1, 1], [], []>, transpose_lhs_hint = false} : vector<1x256xf32>, vector<256x128xf32>, vector<1x128xf32> -> vector<1x128xf32>
      %add3A_74 = arith.addf %dot_general3A_65, %dot_general3A_73 : vector<1x128xf32>
      %get3A_75 = arith.constant 0 : index
      %get3A_76 = arith.constant 0 : index
      %get3A_77 = vector.load %arg11[%get3A_75, %get3A_76] : memref<1x128xf32, #tpu.memory_space<vmem>>, vector<1x128xf32>
      %get3A_78 = arith.constant 0 : index
      %get3A_79 = arith.constant 0 : index
      %get3A_80 = vector.load %arg12[%get3A_78, %get3A_79] : memref<1x128xf32, #tpu.memory_space<vmem>>, vector<1x128xf32>
      %add3A_81 = arith.addf %get3A_77, %get3A_80 : vector<1x128xf32>
      %get3A_82 = arith.constant 0 : index
      %get3A_83 = arith.constant 0 : index
      %get3A_84 = vector.load %arg13[%get3A_82, %get3A_83] : memref<1x128xf32, #tpu.memory_space<vmem>>, vector<1x128xf32>
      %add3A_85 = arith.addf %add3A_81, %get3A_84 : vector<1x128xf32>
      %mul3A_86 = arith.constant 1.000000e+04 : f32
      %mul3A_87 = vector.broadcast %mul3A_86 : f32 to vector<1x128xf32>
      %mul3A_88 = arith.mulf %mul3A_87, %add3A_85 : vector<1x128xf32>
      %add3A_89 = arith.addf %add3A_74, %mul3A_88 : vector<1x128xf32>
      %swap3A_90 = arith.constant 0 : index
      %swap3A_91 = arith.constant 0 : index
      %swap3A_92 = vector.load %arg14[%swap3A_90, %swap3A_91] : memref<1x128xf32, #tpu.memory_space<vmem>>, vector<1x128xf32>
      tpu.vector_store %arg14[%swap3A_90, %swap3A_91], %add3A_89 {strides = array<i32>} : memref<1x128xf32, #tpu.memory_space<vmem>>, vector<1x128xf32>,
    } else {
    }
    %get3A_47 = arith.constant 0 : index
    %get3A_48 = arith.constant 0 : index
    %get3A_49 = vector.load %arg14[%get3A_47, %get3A_48] : memref<1x128xf32, #tpu.memory_space<vmem>>, vector<1x128xf32>
    %get3A_50 = arith.constant 0 : index
    %get3A_51 = arith.constant 0 : index
    %get3A_52 = vector.load %arg10[%get3A_50, %get3A_51] : memref<256x128xf32, #tpu.memory_space<vmem>>, vector<256x128xf32>
    %dot_general3A_53 = arith.constant dense<0.000000e+00> : vector<1x128xf32>
    %dot_general3A_54 = tpu.matmul %broadcast_in_dim3A, %get3A_52, %dot_general3A_53 {dimension_numbers = #tpu.dot_dimension_numbers<[1], [0], [0], [1], [0, 0, 1, 1], [], []>, transpose_lhs_hint = false} : vector<1x256xf32>, vector<256x128xf32>, vector<1x128xf32> -> vector<1x128xf32>
    %add3A_55 = arith.addf %get3A_49, %dot_general3A_54 : vector<1x128xf32>
    %swap3A = arith.constant 0 : index
    %swap3A_56 = arith.constant 0 : index
    %swap3A_57 = vector.load %arg14[%swap3A, %swap3A_56] : memref<1x128xf32, #tpu.memory_space<vmem>>, vector<1x128xf32>
    tpu.vector_store %arg14[%swap3A, %swap3A_56], %add3A_55 {strides = array<i32>} : memref<1x128xf32, #tpu.memory_space<vmem>>, vector<1x128xf32>,
    return
  }
  func.func @transform_0(%arg0: i32) -> (i32, i32, i32) {
    %c0_i32 = arith.constant 0 : i32
    %c0_i32_0 = arith.constant 0 : i32
    %c0_i32_1 = arith.constant 0 : i32
    return %c0_i32, %arg0, %c0_i32_0 : i32, i32, i32
  }
  func.func @transform_1(%arg0: i32) -> (i32, i32, i32) {
    %c0_i32 = arith.constant 0 : i32
    %c0_i32_0 = arith.constant 0 : i32
    %c0_i32_1 = arith.constant 0 : i32
    return %c0_i32, %arg0, %c0_i32_0 : i32, i32, i32
  }
  func.func @transform_2(%arg0: i32) -> (i32, i32) {
    %c0_i32 = arith.constant 0 : i32
    %c0_i32_0 = arith.constant 0 : i32
    %c0_i32_1 = arith.constant 0 : i32
    return %c0_i32, %c0_i32_0 : i32, i32
  }
  func.func @transform_3(%arg0: i32) -> (i32, i32) {
    %c0_i32 = arith.constant 0 : i32
    %c0_i32_0 = arith.constant 0 : i32
    %c0_i32_1 = arith.constant 0 : i32
    return %c0_i32, %c0_i32_0 : i32, i32
  }
  func.func @transform_4(%arg0: i32) -> (i32, i32) {
    %c0_i32 = arith.constant 0 : i32
    %c0_i32_0 = arith.constant 0 : i32
    %c0_i32_1 = arith.constant 0 : i32
    return %c0_i32, %c0_i32_0 : i32, i32
  }
  func.func @transform_5(%arg0: i32) -> (i32, i32) {
    %c0_i32 = arith.constant 0 : i32
    %c0_i32_0 = arith.constant 0 : i32
    %c0_i32_1 = arith.constant 0 : i32
    return %c0_i32, %c0_i32_0 : i32, i32
  }
  func.func @transform_6(%arg0: i32) -> (i32, i32) {
    %c0_i32 = arith.constant 0 : i32
    %c0_i32_0 = arith.constant 0 : i32
    %c0_i32_1 = arith.constant 0 : i32
    return %c0_i32, %c0_i32_0 : i32, i32
  }
  func.func @transform_7(%arg0: i32) -> (i32, i32) {
    %c0_i32 = arith.constant 0 : i32
    %c0_i32_0 = arith.constant 0 : i32
    %c0_i32_1 = arith.constant 0 : i32
    return %c0_i32, %c0_i32_0 : i32, i32
  }
  func.func @transform_8(%arg0: i32) -> (i32, i32) {
    %c0_i32 = arith.constant 0 : i32
    %c0_i32_0 = arith.constant 0 : i32
    %c0_i32_1 = arith.constant 0 : i32
    return %c0_i32, %c0_i32_0 : i32, i32
  }
  func.func @transform_9(%arg0: i32) -> (i32, i32) {
    %c0_i32 = arith.constant 0 : i32
    %c0_i32_0 = arith.constant 0 : i32
    %c0_i32_1 = arith.constant 0 : i32
    return %c0_i32, %c0_i32_0 : i32, i32
  }
  func.func @transform_10(%arg0: i32) -> (i32, i32) {
    %c0_i32 = arith.constant 0 : i32
    %c0_i32_0 = arith.constant 0 : i32
    %c0_i32_1 = arith.constant 0 : i32
    return %c0_i32, %c0_i32_0 : i32, i32
  }
  func.func @transform_11(%arg0: i32) -> (i32, i32) {
    %c0_i32 = arith.constant 0 : i32
    %c0_i32_0 = arith.constant 0 : i32
    %c0_i32_1 = arith.constant 0 : i32
    return %c0_i32, %c0_i32_0 : i32, i32
  }
  func.func @transform_12(%arg0: i32) -> (i32, i32) {
    %c0_i32 = arith.constant 0 : i32
    %c0_i32_0 = arith.constant 0 : i32
    %c0_i32_1 = arith.constant 0 : i32
    return %c0_i32, %c0_i32_0 : i32, i32
  }
  func.func @transform_13(%arg0: i32) -> (i32, i32) {
    %c0_i32 = arith.constant 0 : i32
    %c0_i32_0 = arith.constant 0 : i32
    %c0_i32_1 = arith.constant 0 : i32
    return %c0_i32, %c0_i32_0 : i32, i32
  }
}

</mosaic_0001>

<sc_bundles>
// kernel: kernel.6.cloned.1.call-start
scs
__scs_entry_jumppad:
0x0: {  	(pc) =	sbr.rel $0x88, $3  }
0x1: {  	(tag) =	ssettag $0x0;
	lr =	simm.s32 $0x1  }
0x2: {  	[smem:$0x3F93] =	sst lr;
	_ =	strace $0xD0000000  }
0x3: {  	_ = 	snop  }
0x4: {  	_ = 	snop  }
0x5: {  	_ = 	snop  }
0x6: {  	_ = 	snop  }
0x7: {  	_ = 	snop  }
__scs_overlays_trampoline_lowered:
0x8: {  	[smem:$0x3FA2] =	sst s0  }
0x9: {  	[smem:$0x3FA3] =	sst s1  }
0xa: {  	[smem:$0x3FA4] =	sst s2  }
0xb: {  	[smem:$0x3FA5] =	sst s3  }
0xc: {  	[smem:$0x3FA6] =	sst s4  }
0xd: {  	[smem:$0x3FA7] =	sst s5  }
0xe: {  	[smem:$0x3FA8] =	sst s6  }
0xf: {  	[smem:$0x3FA9] =	sst s7  }
0x10: {  	[smem:$0x3FAA] =	sst s8  }
0x11: {  	[smem:$0x3FAB] =	sst s9;
	s0 =	simm.s32 @!p0 $0x0  }
0x12: {  	s1 =	sld [smem:$0x3F91];
	s0 =	simm.s32 @p0 $0x1  }
0x13: {  	[smem:$0x3FAC] =	sst s0;
	s0 =	simm.s32 @!p1 $0x0  }
0x14: {  	s2 =	sld [smem:$0x3F90];
	s0 =	simm.s32 @p1 $0x1  }
0x15: {  	[smem:$0x3FAD] =	sst s0;
	s0 =	simm.s32 @!p2 $0x0  }
0x16: {  	s3 =	sld [smem:$0x3FDB];
	s0 =	simm.s32 @p2 $0x1  }
0x17: {  	s4 =	simm.s32 $0x1BF5;
	[smem:$0x3FAF] =	sst s0  }
0x18: {  	s0 =	sld [smem:$0x3F92];
	_ =	swait.ge [sflag:s4], $0x0  }
0x19: {  	s7 =	sld [smem:$0x3F93]  }
0x1a: {  	s8 =	sadd.s32 $0xFFFFE003, lr  }
0x1b: {  	s9 =	sadd.s32 $0xFFFFFEF7, lr;
	s5 =	simm.s32 $0xFFFFFFFF;
	p2 =	slt.u32 s8, $0xFFFFF086  }
0x1c: {  	p1 =	slt.u32 s9, $0xF7A;
	s5 =	simm.s32 @!p2 $0x0  }
0x1d: {  	s5 =	simm.s32 @p1 $0x1;
	p0 =	seq.s32 s7, s2  }
0x1e: {  	s7 =	smul.u32 @!p0 $0xF7A, s2;
	p2 =	seq.s32 @!p0 s5, $0x0  }
0x1f: {  	s9 =	smul.u32 $0xF7A, s1;
	s8 =	simm.s32 @!p0 $0x1BF5;
	p2 =	por !p2, p0  }
0x20: {  	[sflag:s8] =	ssyncset.s32 @!p0 $0xFFFFF086;
	s6 =	sadd.s32 @!p0 s3, s7;
	s7 =	simm.s32 @!p0 $0x108  }
0x21: {  	s3 =	sadd.s32 s3, s9;
	s6 =	sadd.s32 @!p0 $0x88, s6;
	s7 =	simm.s32 @p2 $0x1082  }
0x22: {  	[simem:s7], [sflag:s8] =	dma.local @!p0 [hbm:s6], $0xF7A  }
0x23: {  	s9 =	sor.u32 $0xD0000000, s2;
	s6 =	simm.s32 $0x108;
	_ =	swait.ge @!p0 [sflag:s8], $0x0  }
0x24: {  	s3 =	sadd.s32 $0x88, s3;
	s6 =	simm.s32 @!p1 $0x1082;
	[sflag:s4] =	ssyncset.s32 $0xFFFFF086  }
0x25: {  	[simem:s6], [sflag:s4] =	dma.local [hbm:s3], $0xF7A  }
0x26: {  	[smem:$0x3F93] =	sst s1;
	(tag) =	ssettag s2;
	_ =	strace s9  }
0x27: {  	s1 =	sld [smem:$0x3FA3]  }
0x28: {  	s2 =	sld [smem:$0x3FA4]  }
0x29: {  	s4 =	sld [smem:$0x3FA6]  }
0x2a: {  	p0 =	seq.s32 s5, $0x0;
	s5 =	sld [smem:$0x3FA7]  }
0x2b: {  	s6 =	sld [smem:$0x3FA8]  }
0x2c: {  	s7 =	sld [smem:$0x3FA9]  }
0x2d: {  	s3 =	simm.s32 $0x108;
	s8 =	sld [smem:$0x3FAA]  }
0x2e: {  	s3 =	simm.s32 @!p0 $0x1082;
	s9 =	sld [smem:$0x3FAB]  }
0x2f: {  	lr =	sadd.s32 s0, s3;
	s0 =	sld [smem:$0x3FA2]  }
0x30: {  	s3 =	sld [smem:$0x3FA5]  }
0x31: {  	[smem:$0x3FAE] =	sst s10  }
0x32: {  	s10 =	sld [smem:$0x3FAC];
	_ =	sdelay $0x3  }
0x33: {  	p0 =	seq.s32 s10, $0x1;
	s10 =	sld [smem:$0x3FAE];
	_ =	sdelay $0x3  }
0x34: {  	[smem:$0x3FAE] =	sst s10  }
0x35: {  	s10 =	sld [smem:$0x3FAD];
	_ =	sdelay $0x3  }
0x36: {  	p1 =	seq.s32 s10, $0x1;
	s10 =	sld [smem:$0x3FAE];
	_ =	sdelay $0x3  }
0x37: {  	[smem:$0x3FAE] =	sst s10  }
0x38: {  	s10 =	sld [smem:$0x3FAF]  }
0x39: {  	_ = 	snop;
	(pc) =	sbr.ind lr, $3  }
0x3a: {  	_ = 	snop  }
0x3b: {  	_ = 	snop  }
0x3c: {  	p2 =	seq.s32 s10, $0x1;
	s10 =	sld [smem:$0x3FAE]  }
0x3d: {  	_ =	shalt  }
0x3e: {  	_ =	shalt  }
0x3f: {  	_ =	shalt  }
0x40: {  	_ =	shalt  }
0x41: {  	_ =	shalt  }
0x42: {  	_ =	shalt  }
0x43: {  	_ =	shalt  }
0x44: {  	_ =	shalt  }
0x45: {  	_ =	shalt  }
0x46: {  	_ =	shalt  }
0x47: {  	_ =	shalt  }
0x48: {  	_ =	shalt  }
0x49: {  	_ =	shalt  }
0x4a: {  	_ =	shalt  }
0x4b: {  	_ =	shalt  }
0x4c: {  	_ =	shalt  }
0x4d: {  	_ =	shalt  }
0x4e: {  	_ =	shalt  }
0x4f: {  	_ =	shalt  }
0x50: {  	_ =	shalt  }
0x51: {  	_ =	shalt  }
0x52: {  	_ =	shalt  }
0x53: {  	_ =	shalt  }
0x54: {  	_ =	shalt  }
0x55: {  	_ =	shalt  }
0x56: {  	_ =	shalt  }
0x57: {  	_ =	shalt  }
0x58: {  	_ =	shalt  }
0x59: {  	_ =	shalt  }
0x5a: {  	_ =	shalt  }
0x5b: {  	_ =	shalt  }
0x5c: {  	_ =	shalt  }
0x5d: {  	_ =	shalt  }
0x5e: {  	_ =	shalt  }
0x5f: {  	_ =	shalt  }
0x60: {  	_ =	shalt  }
0x61: {  	_ =	shalt  }
0x62: {  	_ =	shalt  }
0x63: {  	_ =	shalt  }
0x64: {  	_ =	shalt  }
0x65: {  	_ =	shalt  }
0x66: {  	_ =	shalt  }
0x67: {  	_ =	shalt  }
0x68: {  	_ =	shalt  }
0x69: {  	_ =	shalt  }
0x6a: {  	_ =	shalt  }
0x6b: {  	_ =	shalt  }
0x6c: {  	_ =	shalt  }
0x6d: {  	_ =	shalt  }
0x6e: {  	_ =	shalt  }
0x6f: {  	_ =	shalt  }
0x70: {  	_ =	shalt  }
0x71: {  	_ =	shalt  }
0x72: {  	_ =	shalt  }
0x73: {  	_ =	shalt  }
0x74: {  	_ =	shalt  }
0x75: {  	_ =	shalt  }
0x76: {  	_ =	shalt  }
0x77: {  	_ =	shalt  }
0x78: {  	_ =	shalt  }
0x79: {  	_ =	shalt  }
0x7a: {  	_ =	shalt  }
0x7b: {  	_ =	shalt  }
0x7c: {  	_ =	shalt  }
0x7d: {  	_ =	shalt  }
0x7e: {  	_ =	shalt  }
0x7f: {  	_ =	shalt  }
0x80: {  	_ =	shalt  }
0x81: {  	_ =	shalt  }
0x82: {  	_ =	shalt  }
0x83: {  	_ =	shalt  }
0x84: {  	_ =	shalt  }
0x85: {  	_ =	shalt  }
0x86: {  	_ =	shalt  }
0x87: {  	_ =	shalt  }
.Lfunc_end0:
.L_simem_size_0:
called_computation_lowered:
.L_overlay_start_0:
0x88: {  	s2 =	sld [smem:$0x3FD9]  }
0x89: {  	s3 =	sld [smem:$0x3FFE];
	_ =	sdelay $0x1  }
0x8a: {  	s1 =	srdreg.scid  }
0x8b: {  	s0 =	sand.u32 $0x1, s1  }
0x8c: {  	s16 =	sshll.u32 s0, $0xA;
	s2 =	sadd.s32 s3, s2  }
0x8d: {  	s2 =	sadd.s32 s2, s16  }
0x8e: {  	[smem:$0x3FBA] =	sst s2  }
0x8f: {  	_ = 	snop  }
0x90: {  	(tm) =	ssettm $0x1  }
0x91: {  	s17 =	sld [smem:$0x3FFB];
	_ =	sdelay $0x3  }
0x92: {  	_ =	strace s17  }
0x93: {  	s2 =	sld [smem:$0x3FFC];
	_ =	sdelay $0x3  }
0x94: {  	_ =	strace s2  }
0x95: {  	s2 =	sld [smem:$0x3FFD];
	_ =	sdelay $0x3  }
0x96: {  	_ =	strace s2  }
0x97: {  	_ =	strace $0x8FFFFFFF  }
0x98: {  	s18 =	sld [smem:$0x3FDB];
	_ =	sdelay $0x1  }
0x99: {  	s19 =	simm.s32 $_scs_section_size  }
0x9a: {  	s4 =	simm.s32 $_size__tile_overlayer_lowered;
	s5 =	simm.s32 $_tile_overlayer_lowered  }
0x9b: {  	s22 =	simm.s32 $0x1BFF;
	s21 =	sshll.u32 s5, $0x1;
	s2 =	sadd.s32 s19, s18  }
0x9c: {  	s6 =	simm.s32 $0x0;
	s20 =	sshll.u32 s4, $0x1;
	s4 =	sadd.s32 s21, s2  }
0x9d: {  	[timem:s6], [sflag:s22] =	dma.local [hbm:s4], s20  }
0x9e: {  	_ =	swait.ge [sflag:s22], s20  }
0x9f: {  	s3 =	ssub.s32 $0x0, s20;
	[sflag:s22] =	ssyncset.done $0x0  }
0xa0: {  	[sflag:s22] =	ssyncadd.s32 s3;
	_ =	sdelay $0x1  }
0xa1: {  	s23 =	simm.s32 $0x1B8B  }
0xa2: {  	_ =	swait.ge [sflag:s23], $0x1  }
0xa3: {  	[sflag:s23] =	ssyncset.done $0x0  }
0xa4: {  	s25 =	simm.s32 $0x1B8E;
	s24 =	sld [smem:$0x3FFE];
	[sflag:s23] =	ssyncadd.s32 $0xFFFFFFFF  }
0xa5: {  	s26 =	simm.s32 $execute0_lowered;
	[smem:$0x3FD2] =	sst s25  }
0xa6: {  	s4 =	sshll.u32 s26, $0x1;
	_ =	strace $0x80000046;
	[dreg:$0x1] =	wrdreg $0xFFFFFFFF  }
0xa7: {  	s28 =	simm.s32 $_size_execute0_lowered;
	s2 =	sadd.s32 s2, s4;
	[dreg:$0x0] =	wrdreg $0x0  }
0xa8: {  	s4 =	sshll.u32 s28, $0x1;
	[dreg:$0x2] =	wrdreg s2  }
0xa9: {  	[dreg:$0x3] =	wrdreg s4  }
0xaa: {  	[dreg:$0x4] =	wrdreg $0xC0  }
0xab: {  	_ =	task [dreg:s6], $0x5FFFF  }
0xac: {  	[dreg:$0x1] =	wrdreg $0xFFFFFFFF  }
0xad: {  	[dreg:$0x0] =	wrdreg $0x60  }
0xae: {  	[dreg:$0x2] =	wrdreg s24  }
0xaf: {  	[dreg:$0x3] =	wrdreg $0x90000  }
0xb0: {  	[dreg:$0x4] =	wrdreg $0x9  }
0xb1: {  	_ =	task.clear_ibuf [dreg:s6], $0x5FFFF;
	_ =	strace $0x90000046  }
0xb2: {  	s29 =	simm.s32 $0x9;
	_ =	strace $0x80000048  }
0xb3: {  	_ =	swait.ge [sflag:s29], $0x1  }
0xb4: {  	[sflag:s29] =	ssyncadd.s32 $0xFFFFFFFF  }
0xb5: {  	_ =	strace $0x90000048  }
0xb6: {  	_ =	sfence  }
0xb7: {  	s30 =	sld [smem:$0x0];
	_ =	sdelay $0x2  }
0xb8: {  	s31 =	sshll.u32 s1, $0xD;
	s1 =	sshrl.u32 s1, $0x2  }
0xb9: {  	s3 =	sand.u32 $0x4000, s31;
	s1 =	sadd.s32 s1, s30  }
0xba: {  	s0 =	sor.u32 s3, s0;
	s1 =	sshll.u32 s1, $0x11  }
0xbb: {  	s0 =	sor.u32 s1, s0  }
0xbc: {  	s0 =	sadd.s32 $0x8F2B, s0  }
0xbd: {  	[sflag:s0] =	ssyncadd.remote.s32 $0x1  }
0xbe: {  	_ =	sfence.sel $0xFFFF  }
0xbf: {  	[dreg:$0x0] =	wrdreg $0xFFFFFFFF;
	(pc) =	sbr.abs _section_cstart, $3  }
0xc0: {  	[dreg:$0x1] =	wrdreg $0xFFFFFFFF  }
0xc1: {  	_ =	task.clear_ibuf [dreg:s6], $0x2FFFF;
	_ =	strace $0x9FFFFFFF  }
0xc2: {  	(tm) =	ssettm $0x7FFFFFFF  }
0xc3: {  	_ =	shalt  }
tec
execute0_lowered:
.L_overlay_start_1:
0x0: {  	(tag) =	ssettag $0x1  }
0x1: {  	s6 =	rddreg [dreg:$0x0];
	s2 =	srdreg.scid  }
0x2: {  	s1 =	rddreg [dreg:$0x1];
	s7 =	sand.u32 $0x1, s2  }
0x3: {  	s2 =	stileid.u32;
	s5 =	smul.u32 $0x5000, s7  }
0x4: {  	s0 =	rddreg [dreg:$0x2];
	s3 =	simm.s32 $0x0;
	s11 =	smul.u32 $0x500, s2  }
0x5: {  	s15 =	simm.s32 $0x1;
	[smem:$0x7FF] =	sst s3;
	s8 =	smul.u32 $0x28000, s7  }
0x6: {  	s4 =	sadd.s32 $0x12400, s6;
	_ =	strace $0x80000047;
	s10 =	smul.u32 $0x50000, s2  }
0x7: {  	s7 =	ssub.s32 $0x2, s7;
	s31 =	sshll.u32 s2, $0x6;
	s17 =	smul.u32 $0x2800, s2  }
0x8: {  	s30 =	sshrl.u32 s7, $0x1;
	s9 =	sadd.s32 s5, s6;
	s12 =	sadd.s32 s11, s6  }
0x9: {  	s5 =	sadd.s32 $0x62400, s6;
	s8 =	sadd.s32 s8, s6;
	s10 =	sshrl.u32 s10, $0x2  }
0xa: {  	s13 =	ssub.s32 s7, s30;
	s6 =	sor.u32 $0x1C02, s31;
	s10 =	sadd.s32 s10, s1  }
0xb: {  	s14 =	sadd.s32 $0x8400, s9;
	s7 =	sadd.s32 $0x3400, s12;
	s16 =	sadd.s32 $0x64C00, s8  }
0xc: {  	s8 =	smax.u32 s13, $0x1;
	s12 =	simm.s32 $0x2800;
	s13 =	simm.s32 $0x7D  }
0xd: {  	s9 =	sshrl.u32 s10, $0x3;
	s10 =	simm.s32 $0x2;
	s11 =	sadd.s32 s11, s14  }
0xe: {  	s14 =	simm.s32 $0x5000;
	s16 =	sadd.s32 s17, s16;
	s17 =	simm.s32 $0x0  }
.LBB2_1:
0xf: {  	[spmem:s9], [sflag:s6] =	dma.local [hbm:s5], $0x2800  }
0x10: {  	_ =	swait.ge [sflag:s10], $0x2800  }
0x11: {  	[sflag:s10] =	ssyncset.done $0x0  }
0x12: {  	[sflag:s10] =	ssyncadd.s32 $0xFFFFD800  }
0x13: {  	[tilespmem:s3], [sflag:$0x2] =	stream.linear.gather [hbm4b:s11+s3], $0x2800, $0x38;
	[tilespmem:$0x1D000] =	vst v63  }
0x14: {  	_ =	swait.ge [sflag:s10], $0x2800  }
0x15: {  	[sflag:s10] =	ssyncset.done $0x0  }
0x16: {  	[sflag:s10] =	ssyncadd.s32 $0xFFFFD800  }
0x17: {  	[tilespmem:s12], [sflag:$0x2] =	stream.linear.gather [hbm4b:s7+s3], $0x2800, $0x38;
	[tilespmem:$0x1D000] =	vst v63  }
0x18: {  	_ =	swait.ge [sflag:s10], $0x2800  }
0x19: {  	[sflag:s10] =	ssyncset.done $0x0  }
0x1a: {  	[sflag:s10] =	ssyncadd.s32 $0xFFFFD800  }
0x1b: {  	s18 =	simm.s32 $0x0;
	[bflag:$0x0] =	sbarrier.arrive $0xFFFF  }
0x1c: {  	[tilespmem:s14], [sflag:$0x1] =	stream.indirect.gather [hbm4b:s4+s13], $0x80, s18, s13, $0xb8;
	[tilespmem:$0x1D000] =	vst v63  }
0x1d: {  	_ =	swait.ge [sflag:s15], $0x3E80  }
0x1e: {  	[sflag:s15] =	ssyncset.done $0x0  }
0x1f: {  	s31 =	simm.s32 $0x2800;
	[sflag:s15] =	ssyncadd.s32 $0xFFFFC180  }
0x20: {  	[spmem:s1] =	stream.indirect.scatter.add.f32 [tilespmem:s14], [sflag:$0x2], $0x80, s31, s13, $0xb8;
	[tilespmem:$0x1D000] =	vst v63  }
0x21: {  	_ =	swait.ge [sflag:s10], $0x3E80  }
0x22: {  	s19 =	simm.s32 $0x400;
	s18 =	simm.s32 $0x200;
	[sflag:s10] =	ssyncset.done $0x0  }
.LBB2_2:
0x23: {  	s20 =	sshra.s32 s18, $0x2  }
0x24: {  	[sflag:s10] =	ssyncadd.s32 $0xFFFFC180;
	s18 =	smov.u32 s19;
	s21 =	sadd.s32 $0x200, s19  }
0x25: {  	[tilespmem:s14], [sflag:$0x1] =	stream.indirect.gather [hbm4b:s4+s13], $0x80, s20, s13, $0xb8;
	[tilespmem:$0x1D000] =	vst v63  }
0x26: {  	p0 =	sne.s32 s19, $0x9E00;
	_ =	swait.ge [sflag:s15], $0x3E80  }
.Ltmp0:
0x27: {  	[sflag:s15] =	ssyncset.done $0x0;
	(pc) =	sbr.rel @p0 .LBB2_2-.Ltmp0, $4  }
0x28: {  	s19 =	sadd.s32 $0x2800, s20;
	[sflag:s15] =	ssyncadd.s32 $0xFFFFC180  }
0x29: {  	[spmem:s1] =	stream.indirect.scatter.add.f32 [tilespmem:s14], [sflag:$0x2], $0x80, s19, s13, $0xb8;
	[tilespmem:$0x1D000] =	vst v63  }
0x2a: {  	_ =	swait.ge [sflag:s10], $0x3E80  }
0x2b: {  	s19 =	smov.u32 s21;
	[sflag:s10] =	ssyncset.done $0x0  }
0x2c: {  	s18 =	sshra.s32 s18, $0x2;
	[sflag:s10] =	ssyncadd.s32 $0xFFFFC180  }
0x2d: {  	[tilespmem:s14], [sflag:$0x1] =	stream.indirect.gather [hbm4b:s4+s13], $0x80, s18, s13, $0xb8;
	[tilespmem:$0x1D000] =	vst v63  }
0x2e: {  	_ =	swait.ge [sflag:s15], $0x3E80  }
0x2f: {  	[sflag:s15] =	ssyncset.done $0x0  }
0x30: {  	s18 =	sadd.s32 $0x2800, s18;
	[sflag:s15] =	ssyncadd.s32 $0xFFFFC180  }
0x31: {  	[spmem:s1] =	stream.indirect.scatter.add.f32 [tilespmem:s14], [sflag:$0x2], $0x80, s18, s13, $0xb8;
	[tilespmem:$0x1D000] =	vst v63  }
0x32: {  	_ =	swait.ge [sflag:s10], $0x3E80  }
0x33: {  	s17 =	sadd.s32 $0x1, s17;
	[sflag:s10] =	ssyncset.done $0x0  }
0x34: {  	p0 =	sne.s32 s17, s8;
	[sflag:s10] =	ssyncadd.s32 $0xFFFFC180  }
.Ltmp1:
0x35: {  	[bflag:$0x0] =	sbarrier.arrive $0xFFFF;
	(pc) =	sbr.rel @p0 .LBB2_1-.Ltmp1, $4  }
0x36: {  	[hbm:s16], [sflag:s6] =	dma.local [spmem:s9], $0x2800  }
0x37: {  	_ =	swait.ge [sflag:s10], $0x2800  }
0x38: {  	[sflag:s10] =	ssyncset.done $0x0  }
0x39: {  	[sflag:s10] =	ssyncadd.s32 $0xFFFFD800  }
0x3a: {  	_ =	sfence.sel $0x180000  }
0x3b: {  	[bflag:$0x0] =	sbarrier.arrive $0xFFFF  }
0x3c: {  	p0 =	sne.s32 s2, $0x0;
	_ =	strace $0x90000047  }
0x3d: {  	s0 =	sadd.s32 @!p0 $0x100000, s0;
	[bflag:$0x2] =	sbarrier.arrive $0xFFFF  }
0x3e: {  	[sflag:s0] =	ssyncadd.tile.s32 @!p0 $0x1;
	_ =	shalt  }
.Lfunc_end2:
_tile_overlayer_lowered:
.L_overlay_start_2:
0x3f: {  	(tag) =	ssettag $0x2  }
0x40: {  	s0 =	rddreg [dreg:$0x0];
	s2 =	stileid.u32  }
0x41: {  	s1 =	rddreg [dreg:$0x1];
	p0 =	sne.s32 s2, $0x0  }
0x42: {  	s3 =	rddreg [dreg:$0x2];
	[bflag:$0x3] =	sbarrier.arrive $0xFFFF;
	s2 =	simm.s32 @!p0 $0x1C02  }
0x43: {  	[timem:s3], [sflag:s2] =	dma.local @!p0 [hbm:s0], s1  }
0x44: {  	s0 =	simm.s32 @!p0 $0x2  }
0x45: {  	_ =	swait.ge @!p0 [sflag:s0], s1  }
0x46: {  	s1 =	ssub.s32 @!p0 $0x0, s1;
	[sflag:s0] =	ssyncset.done @!p0 $0x0  }
0x47: {  	[sflag:s0] =	ssyncadd.s32 @!p0 s1  }
0x48: {  	[bflag:$0x3] =	sbarrier.arrive $0xFFFF  }
0x49: {  	_ =	shalt  }

// kernel: kernel.9.cloned.1.call-start
scs
__scs_entry_jumppad:
0x0: {  	(pc) =	sbr.rel $0x88, $3  }
0x1: {  	(tag) =	ssettag $0x0;
	lr =	simm.s32 $0x1  }
0x2: {  	[smem:$0x3F93] =	sst lr;
	_ =	strace $0xD0000000  }
0x3: {  	_ = 	snop  }
0x4: {  	_ = 	snop  }
0x5: {  	_ = 	snop  }
0x6: {  	_ = 	snop  }
0x7: {  	_ = 	snop  }
__scs_overlays_trampoline_lowered:
0x8: {  	[smem:$0x3FA2] =	sst s0  }
0x9: {  	[smem:$0x3FA3] =	sst s1  }
0xa: {  	[smem:$0x3FA4] =	sst s2  }
0xb: {  	[smem:$0x3FA5] =	sst s3  }
0xc: {  	[smem:$0x3FA6] =	sst s4  }
0xd: {  	[smem:$0x3FA7] =	sst s5  }
0xe: {  	[smem:$0x3FA8] =	sst s6  }
0xf: {  	[smem:$0x3FA9] =	sst s7  }
0x10: {  	[smem:$0x3FAA] =	sst s8  }
0x11: {  	[smem:$0x3FAB] =	sst s9;
	s0 =	simm.s32 @!p0 $0x0  }
0x12: {  	s1 =	sld [smem:$0x3F91];
	s0 =	simm.s32 @p0 $0x1  }
0x13: {  	[smem:$0x3FAC] =	sst s0;
	s0 =	simm.s32 @!p1 $0x0  }
0x14: {  	s2 =	sld [smem:$0x3F90];
	s0 =	simm.s32 @p1 $0x1  }
0x15: {  	[smem:$0x3FAD] =	sst s0;
	s0 =	simm.s32 @!p2 $0x0  }
0x16: {  	s3 =	sld [smem:$0x3FDB];
	s0 =	simm.s32 @p2 $0x1  }
0x17: {  	s4 =	simm.s32 $0x1BF5;
	[smem:$0x3FAF] =	sst s0  }
0x18: {  	s0 =	sld [smem:$0x3F92];
	_ =	swait.ge [sflag:s4], $0x0  }
0x19: {  	s7 =	sld [smem:$0x3F93]  }
0x1a: {  	s8 =	sadd.s32 $0xFFFFE003, lr  }
0x1b: {  	s9 =	sadd.s32 $0xFFFFFEF7, lr;
	s5 =	simm.s32 $0xFFFFFFFF;
	p2 =	slt.u32 s8, $0xFFFFF086  }
0x1c: {  	p1 =	slt.u32 s9, $0xF7A;
	s5 =	simm.s32 @!p2 $0x0  }
0x1d: {  	s5 =	simm.s32 @p1 $0x1;
	p0 =	seq.s32 s7, s2  }
0x1e: {  	s7 =	smul.u32 @!p0 $0xF7A, s2;
	p2 =	seq.s32 @!p0 s5, $0x0  }
0x1f: {  	s9 =	smul.u32 $0xF7A, s1;
	s8 =	simm.s32 @!p0 $0x1BF5;
	p2 =	por !p2, p0  }
0x20: {  	[sflag:s8] =	ssyncset.s32 @!p0 $0xFFFFF086;
	s6 =	sadd.s32 @!p0 s3, s7;
	s7 =	simm.s32 @!p0 $0x108  }
0x21: {  	s3 =	sadd.s32 s3, s9;
	s6 =	sadd.s32 @!p0 $0x88, s6;
	s7 =	simm.s32 @p2 $0x1082  }
0x22: {  	[simem:s7], [sflag:s8] =	dma.local @!p0 [hbm:s6], $0xF7A  }
0x23: {  	s9 =	sor.u32 $0xD0000000, s2;
	s6 =	simm.s32 $0x108;
	_ =	swait.ge @!p0 [sflag:s8], $0x0  }
0x24: {  	s3 =	sadd.s32 $0x88, s3;
	s6 =	simm.s32 @!p1 $0x1082;
	[sflag:s4] =	ssyncset.s32 $0xFFFFF086  }
0x25: {  	[simem:s6], [sflag:s4] =	dma.local [hbm:s3], $0xF7A  }
0x26: {  	[smem:$0x3F93] =	sst s1;
	(tag) =	ssettag s2;
	_ =	strace s9  }
0x27: {  	s1 =	sld [smem:$0x3FA3]  }
0x28: {  	s2 =	sld [smem:$0x3FA4]  }
0x29: {  	s4 =	sld [smem:$0x3FA6]  }
0x2a: {  	p0 =	seq.s32 s5, $0x0;
	s5 =	sld [smem:$0x3FA7]  }
0x2b: {  	s6 =	sld [smem:$0x3FA8]  }
0x2c: {  	s7 =	sld [smem:$0x3FA9]  }
0x2d: {  	s3 =	simm.s32 $0x108;
	s8 =	sld [smem:$0x3FAA]  }
0x2e: {  	s3 =	simm.s32 @!p0 $0x1082;
	s9 =	sld [smem:$0x3FAB]  }
0x2f: {  	lr =	sadd.s32 s0, s3;
	s0 =	sld [smem:$0x3FA2]  }
0x30: {  	s3 =	sld [smem:$0x3FA5]  }
0x31: {  	[smem:$0x3FAE] =	sst s10  }
0x32: {  	s10 =	sld [smem:$0x3FAC];
	_ =	sdelay $0x3  }
0x33: {  	p0 =	seq.s32 s10, $0x1;
	s10 =	sld [smem:$0x3FAE];
	_ =	sdelay $0x3  }
0x34: {  	[smem:$0x3FAE] =	sst s10  }
0x35: {  	s10 =	sld [smem:$0x3FAD];
	_ =	sdelay $0x3  }
0x36: {  	p1 =	seq.s32 s10, $0x1;
	s10 =	sld [smem:$0x3FAE];
	_ =	sdelay $0x3  }
0x37: {  	[smem:$0x3FAE] =	sst s10  }
0x38: {  	s10 =	sld [smem:$0x3FAF]  }
0x39: {  	_ = 	snop;
	(pc) =	sbr.ind lr, $3  }
0x3a: {  	_ = 	snop  }
0x3b: {  	_ = 	snop  }
0x3c: {  	p2 =	seq.s32 s10, $0x1;
	s10 =	sld [smem:$0x3FAE]  }
0x3d: {  	_ =	shalt  }
0x3e: {  	_ =	shalt  }
0x3f: {  	_ =	shalt  }
0x40: {  	_ =	shalt  }
0x41: {  	_ =	shalt  }
0x42: {  	_ =	shalt  }
0x43: {  	_ =	shalt  }
0x44: {  	_ =	shalt  }
0x45: {  	_ =	shalt  }
0x46: {  	_ =	shalt  }
0x47: {  	_ =	shalt  }
0x48: {  	_ =	shalt  }
0x49: {  	_ =	shalt  }
0x4a: {  	_ =	shalt  }
0x4b: {  	_ =	shalt  }
0x4c: {  	_ =	shalt  }
0x4d: {  	_ =	shalt  }
0x4e: {  	_ =	shalt  }
0x4f: {  	_ =	shalt  }
0x50: {  	_ =	shalt  }
0x51: {  	_ =	shalt  }
0x52: {  	_ =	shalt  }
0x53: {  	_ =	shalt  }
0x54: {  	_ =	shalt  }
0x55: {  	_ =	shalt  }
0x56: {  	_ =	shalt  }
0x57: {  	_ =	shalt  }
0x58: {  	_ =	shalt  }
0x59: {  	_ =	shalt  }
0x5a: {  	_ =	shalt  }
0x5b: {  	_ =	shalt  }
0x5c: {  	_ =	shalt  }
0x5d: {  	_ =	shalt  }
0x5e: {  	_ =	shalt  }
0x5f: {  	_ =	shalt  }
0x60: {  	_ =	shalt  }
0x61: {  	_ =	shalt  }
0x62: {  	_ =	shalt  }
0x63: {  	_ =	shalt  }
0x64: {  	_ =	shalt  }
0x65: {  	_ =	shalt  }
0x66: {  	_ =	shalt  }
0x67: {  	_ =	shalt  }
0x68: {  	_ =	shalt  }
0x69: {  	_ =	shalt  }
0x6a: {  	_ =	shalt  }
0x6b: {  	_ =	shalt  }
0x6c: {  	_ =	shalt  }
0x6d: {  	_ =	shalt  }
0x6e: {  	_ =	shalt  }
0x6f: {  	_ =	shalt  }
0x70: {  	_ =	shalt  }
0x71: {  	_ =	shalt  }
0x72: {  	_ =	shalt  }
0x73: {  	_ =	shalt  }
0x74: {  	_ =	shalt  }
0x75: {  	_ =	shalt  }
0x76: {  	_ =	shalt  }
0x77: {  	_ =	shalt  }
0x78: {  	_ =	shalt  }
0x79: {  	_ =	shalt  }
0x7a: {  	_ =	shalt  }
0x7b: {  	_ =	shalt  }
0x7c: {  	_ =	shalt  }
0x7d: {  	_ =	shalt  }
0x7e: {  	_ =	shalt  }
0x7f: {  	_ =	shalt  }
0x80: {  	_ =	shalt  }
0x81: {  	_ =	shalt  }
0x82: {  	_ =	shalt  }
0x83: {  	_ =	shalt  }
0x84: {  	_ =	shalt  }
0x85: {  	_ =	shalt  }
0x86: {  	_ =	shalt  }
0x87: {  	_ =	shalt  }
.Lfunc_end0:
.L_simem_size_0:
called_computation.1_lowered:
.L_overlay_start_0:
0x88: {  	s2 =	sld [smem:$0x3FD9]  }
0x89: {  	s3 =	sld [smem:$0x3FFE];
	_ =	sdelay $0x1  }
0x8a: {  	s1 =	srdreg.scid  }
0x8b: {  	s0 =	sand.u32 $0x1, s1  }
0x8c: {  	s16 =	sshll.u32 s0, $0xA;
	s2 =	sadd.s32 s3, s2  }
0x8d: {  	s2 =	sadd.s32 s2, s16  }
0x8e: {  	[smem:$0x3FBA] =	sst s2  }
0x8f: {  	_ = 	snop  }
0x90: {  	(tm) =	ssettm $0x1  }
0x91: {  	s17 =	sld [smem:$0x3FFB];
	_ =	sdelay $0x3  }
0x92: {  	_ =	strace s17  }
0x93: {  	s2 =	sld [smem:$0x3FFC];
	_ =	sdelay $0x3  }
0x94: {  	_ =	strace s2  }
0x95: {  	s2 =	sld [smem:$0x3FFD];
	_ =	sdelay $0x3  }
0x96: {  	_ =	strace s2  }
0x97: {  	_ =	strace $0x8FFFFFFF  }
0x98: {  	s18 =	sld [smem:$0x3FDB];
	_ =	sdelay $0x1  }
0x99: {  	s19 =	simm.s32 $_scs_section_size  }
0x9a: {  	s4 =	simm.s32 $_size__tile_overlayer_lowered;
	s5 =	simm.s32 $_tile_overlayer_lowered  }
0x9b: {  	s22 =	simm.s32 $0x1BFF;
	s21 =	sshll.u32 s5, $0x1;
	s2 =	sadd.s32 s19, s18  }
0x9c: {  	s6 =	simm.s32 $0x0;
	s20 =	sshll.u32 s4, $0x1;
	s4 =	sadd.s32 s21, s2  }
0x9d: {  	[timem:s6], [sflag:s22] =	dma.local [hbm:s4], s20  }
0x9e: {  	_ =	swait.ge [sflag:s22], s20  }
0x9f: {  	s3 =	ssub.s32 $0x0, s20;
	[sflag:s22] =	ssyncset.done $0x0  }
0xa0: {  	[sflag:s22] =	ssyncadd.s32 s3;
	_ =	sdelay $0x1  }
0xa1: {  	s23 =	simm.s32 $0x1B8B  }
0xa2: {  	_ =	swait.ge [sflag:s23], $0x1  }
0xa3: {  	[sflag:s23] =	ssyncset.done $0x0  }
0xa4: {  	s25 =	simm.s32 $0x1B8E;
	s24 =	sld [smem:$0x3FFE];
	[sflag:s23] =	ssyncadd.s32 $0xFFFFFFFF  }
0xa5: {  	s26 =	simm.s32 $execute0_lowered;
	[smem:$0x3FD2] =	sst s25  }
0xa6: {  	s4 =	sshll.u32 s26, $0x1;
	_ =	strace $0x80000049;
	[dreg:$0x1] =	wrdreg $0xFFFFFFFF  }
0xa7: {  	s28 =	simm.s32 $_size_execute0_lowered;
	s2 =	sadd.s32 s2, s4;
	[dreg:$0x0] =	wrdreg $0x0  }
0xa8: {  	s4 =	sshll.u32 s28, $0x1;
	[dreg:$0x2] =	wrdreg s2  }
0xa9: {  	[dreg:$0x3] =	wrdreg s4  }
0xaa: {  	[dreg:$0x4] =	wrdreg $0xC0  }
0xab: {  	_ =	task [dreg:s6], $0x5FFFF  }
0xac: {  	[dreg:$0x1] =	wrdreg $0xFFFFFFFF  }
0xad: {  	[dreg:$0x0] =	wrdreg $0x60  }
0xae: {  	[dreg:$0x2] =	wrdreg s24  }
0xaf: {  	[dreg:$0x3] =	wrdreg $0x90000  }
0xb0: {  	[dreg:$0x4] =	wrdreg $0x9  }
0xb1: {  	_ =	task.clear_ibuf [dreg:s6], $0x5FFFF;
	_ =	strace $0x90000049  }
0xb2: {  	s29 =	simm.s32 $0x9;
	_ =	strace $0x8000004B  }
0xb3: {  	_ =	swait.ge [sflag:s29], $0x1  }
0xb4: {  	[sflag:s29] =	ssyncadd.s32 $0xFFFFFFFF  }
0xb5: {  	_ =	strace $0x9000004B  }
0xb6: {  	_ =	sfence  }
0xb7: {  	s30 =	sld [smem:$0x0];
	_ =	sdelay $0x2  }
0xb8: {  	s31 =	sshll.u32 s1, $0xD;
	s1 =	sshrl.u32 s1, $0x2  }
0xb9: {  	s3 =	sand.u32 $0x4000, s31;
	s1 =	sadd.s32 s1, s30  }
0xba: {  	s0 =	sor.u32 s3, s0;
	s1 =	sshll.u32 s1, $0x11  }
0xbb: {  	s0 =	sor.u32 s1, s0  }
0xbc: {  	s0 =	sadd.s32 $0x8F2B, s0  }
0xbd: {  	[sflag:s0] =	ssyncadd.remote.s32 $0x1  }
0xbe: {  	_ =	sfence.sel $0xFFFF  }
0xbf: {  	[dreg:$0x0] =	wrdreg $0xFFFFFFFF;
	(pc) =	sbr.abs _section_cstart, $3  }
0xc0: {  	[dreg:$0x1] =	wrdreg $0xFFFFFFFF  }
0xc1: {  	_ =	task.clear_ibuf [dreg:s6], $0x2FFFF;
	_ =	strace $0x9FFFFFFF  }
0xc2: {  	(tm) =	ssettm $0x7FFFFFFF  }
0xc3: {  	_ =	shalt  }
tec
execute0_lowered:
.L_overlay_start_1:
0x0: {  	(tag) =	ssettag $0x1  }
0x1: {  	s6 =	rddreg [dreg:$0x0];
	s2 =	srdreg.scid  }
0x2: {  	s1 =	rddreg [dreg:$0x1];
	s7 =	sand.u32 $0x1, s2  }
0x3: {  	s2 =	stileid.u32;
	s5 =	smul.u32 $0x5000, s7  }
0x4: {  	s0 =	rddreg [dreg:$0x2];
	s3 =	simm.s32 $0x0;
	s11 =	smul.u32 $0x500, s2  }
0x5: {  	s15 =	simm.s32 $0x1;
	[smem:$0x7FF] =	sst s3;
	s8 =	smul.u32 $0x28000, s7  }
0x6: {  	s4 =	sadd.s32 $0x12400, s6;
	_ =	strace $0x8000004A;
	s10 =	smul.u32 $0x50000, s2  }
0x7: {  	s7 =	ssub.s32 $0x2, s7;
	s31 =	sshll.u32 s2, $0x6;
	s17 =	smul.u32 $0x2800, s2  }
0x8: {  	s30 =	sshrl.u32 s7, $0x1;
	s9 =	sadd.s32 s5, s6;
	s12 =	sadd.s32 s11, s6  }
0x9: {  	s5 =	sadd.s32 $0x62400, s6;
	s8 =	sadd.s32 s8, s6;
	s10 =	sshrl.u32 s10, $0x2  }
0xa: {  	s13 =	ssub.s32 s7, s30;
	s6 =	sor.u32 $0x1C02, s31;
	s10 =	sadd.s32 s10, s1  }
0xb: {  	s14 =	sadd.s32 $0x8400, s9;
	s7 =	sadd.s32 $0x3400, s12;
	s16 =	sadd.s32 $0x64C00, s8  }
0xc: {  	s8 =	smax.u32 s13, $0x1;
	s12 =	simm.s32 $0x2800;
	s13 =	simm.s32 $0x7D  }
0xd: {  	s9 =	sshrl.u32 s10, $0x3;
	s10 =	simm.s32 $0x2;
	s11 =	sadd.s32 s11, s14  }
0xe: {  	s14 =	simm.s32 $0x5000;
	s16 =	sadd.s32 s17, s16;
	s17 =	simm.s32 $0x0  }
.LBB2_1:
0xf: {  	[spmem:s9], [sflag:s6] =	dma.local [hbm:s5], $0x2800  }
0x10: {  	_ =	swait.ge [sflag:s10], $0x2800  }
0x11: {  	[sflag:s10] =	ssyncset.done $0x0  }
0x12: {  	[sflag:s10] =	ssyncadd.s32 $0xFFFFD800  }
0x13: {  	[tilespmem:s3], [sflag:$0x2] =	stream.linear.gather [hbm4b:s11+s3], $0x2800, $0x38;
	[tilespmem:$0x1D000] =	vst v63  }
0x14: {  	_ =	swait.ge [sflag:s10], $0x2800  }
0x15: {  	[sflag:s10] =	ssyncset.done $0x0  }
0x16: {  	[sflag:s10] =	ssyncadd.s32 $0xFFFFD800  }
0x17: {  	[tilespmem:s12], [sflag:$0x2] =	stream.linear.gather [hbm4b:s7+s3], $0x2800, $0x38;
	[tilespmem:$0x1D000] =	vst v63  }
0x18: {  	_ =	swait.ge [sflag:s10], $0x2800  }
0x19: {  	[sflag:s10] =	ssyncset.done $0x0  }
0x1a: {  	[sflag:s10] =	ssyncadd.s32 $0xFFFFD800  }
0x1b: {  	s18 =	simm.s32 $0x0;
	[bflag:$0x0] =	sbarrier.arrive $0xFFFF  }
0x1c: {  	[tilespmem:s14], [sflag:$0x1] =	stream.indirect.gather [hbm4b:s4+s13], $0x80, s18, s13, $0xb8;
	[tilespmem:$0x1D000] =	vst v63  }
0x1d: {  	_ =	swait.ge [sflag:s15], $0x3E80  }
0x1e: {  	[sflag:s15] =	ssyncset.done $0x0  }
0x1f: {  	s31 =	simm.s32 $0x2800;
	[sflag:s15] =	ssyncadd.s32 $0xFFFFC180  }
0x20: {  	[spmem:s1] =	stream.indirect.scatter.add.f32 [tilespmem:s14], [sflag:$0x2], $0x80, s31, s13, $0xb8;
	[tilespmem:$0x1D000] =	vst v63  }
0x21: {  	_ =	swait.ge [sflag:s10], $0x3E80  }
0x22: {  	s19 =	simm.s32 $0x400;
	s18 =	simm.s32 $0x200;
	[sflag:s10] =	ssyncset.done $0x0  }
.LBB2_2:
0x23: {  	s20 =	sshra.s32 s18, $0x2  }
0x24: {  	[sflag:s10] =	ssyncadd.s32 $0xFFFFC180;
	s18 =	smov.u32 s19;
	s21 =	sadd.s32 $0x200, s19  }
0x25: {  	[tilespmem:s14], [sflag:$0x1] =	stream.indirect.gather [hbm4b:s4+s13], $0x80, s20, s13, $0xb8;
	[tilespmem:$0x1D000] =	vst v63  }
0x26: {  	p0 =	sne.s32 s19, $0x9E00;
	_ =	swait.ge [sflag:s15], $0x3E80  }
.Ltmp0:
0x27: {  	[sflag:s15] =	ssyncset.done $0x0;
	(pc) =	sbr.rel @p0 .LBB2_2-.Ltmp0, $4  }
0x28: {  	s19 =	sadd.s32 $0x2800, s20;
	[sflag:s15] =	ssyncadd.s32 $0xFFFFC180  }
0x29: {  	[spmem:s1] =	stream.indirect.scatter.add.f32 [tilespmem:s14], [sflag:$0x2], $0x80, s19, s13, $0xb8;
	[tilespmem:$0x1D000] =	vst v63  }
0x2a: {  	_ =	swait.ge [sflag:s10], $0x3E80  }
0x2b: {  	s19 =	smov.u32 s21;
	[sflag:s10] =	ssyncset.done $0x0  }
0x2c: {  	s18 =	sshra.s32 s18, $0x2;
	[sflag:s10] =	ssyncadd.s32 $0xFFFFC180  }
0x2d: {  	[tilespmem:s14], [sflag:$0x1] =	stream.indirect.gather [hbm4b:s4+s13], $0x80, s18, s13, $0xb8;
	[tilespmem:$0x1D000] =	vst v63  }
0x2e: {  	_ =	swait.ge [sflag:s15], $0x3E80  }
0x2f: {  	[sflag:s15] =	ssyncset.done $0x0  }
0x30: {  	s18 =	sadd.s32 $0x2800, s18;
	[sflag:s15] =	ssyncadd.s32 $0xFFFFC180  }
0x31: {  	[spmem:s1] =	stream.indirect.scatter.add.f32 [tilespmem:s14], [sflag:$0x2], $0x80, s18, s13, $0xb8;
	[tilespmem:$0x1D000] =	vst v63  }
0x32: {  	_ =	swait.ge [sflag:s10], $0x3E80  }
0x33: {  	s17 =	sadd.s32 $0x1, s17;
	[sflag:s10] =	ssyncset.done $0x0  }
0x34: {  	p0 =	sne.s32 s17, s8;
	[sflag:s10] =	ssyncadd.s32 $0xFFFFC180  }
.Ltmp1:
0x35: {  	[bflag:$0x0] =	sbarrier.arrive $0xFFFF;
	(pc) =	sbr.rel @p0 .LBB2_1-.Ltmp1, $4  }
0x36: {  	[hbm:s16], [sflag:s6] =	dma.local [spmem:s9], $0x2800  }
0x37: {  	_ =	swait.ge [sflag:s10], $0x2800  }
0x38: {  	[sflag:s10] =	ssyncset.done $0x0  }
0x39: {  	[sflag:s10] =	ssyncadd.s32 $0xFFFFD800  }
0x3a: {  	_ =	sfence.sel $0x180000  }
0x3b: {  	[bflag:$0x0] =	sbarrier.arrive $0xFFFF  }
0x3c: {  	p0 =	sne.s32 s2, $0x0;
	_ =	strace $0x9000004A  }
0x3d: {  	s0 =	sadd.s32 @!p0 $0x100000, s0;
	[bflag:$0x2] =	sbarrier.arrive $0xFFFF  }
0x3e: {  	[sflag:s0] =	ssyncadd.tile.s32 @!p0 $0x1;
	_ =	shalt  }
.Lfunc_end2:
_tile_overlayer_lowered:
.L_overlay_start_2:
0x3f: {  	(tag) =	ssettag $0x2  }
0x40: {  	s0 =	rddreg [dreg:$0x0];
	s2 =	stileid.u32  }
0x41: {  	s1 =	rddreg [dreg:$0x1];
	p0 =	sne.s32 s2, $0x0  }
0x42: {  	s3 =	rddreg [dreg:$0x2];
	[bflag:$0x3] =	sbarrier.arrive $0xFFFF;
	s2 =	simm.s32 @!p0 $0x1C02  }
0x43: {  	[timem:s3], [sflag:s2] =	dma.local @!p0 [hbm:s0], s1  }
0x44: {  	s0 =	simm.s32 @!p0 $0x2  }
0x45: {  	_ =	swait.ge @!p0 [sflag:s0], s1  }
0x46: {  	s1 =	ssub.s32 @!p0 $0x0, s1;
	[sflag:s0] =	ssyncset.done @!p0 $0x0  }
0x47: {  	[sflag:s0] =	ssyncadd.s32 @!p0 s1  }
0x48: {  	[bflag:$0x3] =	sbarrier.arrive $0xFFFF  }
0x49: {  	_ =	shalt  }

</sc_bundles>
